<compile_context>
chip_gen: v7x
topology: tpu7x:2x2x1
jax: 0.10.2.dev20260603
libtpu: 0.0.44.dev20260713+nightly
codegen_flags: <defaults>
</compile_context>

<pallas_src>
import functools

import jax
import jax.numpy as jnp
from jax import lax
from jax.experimental import pallas as pl
from jax.experimental.pallas import tpu as pltpu
from jax.experimental.pallas import tpu_sc as plsc

_BETA_SQUARED = 1.0

_NC = 2
_NS = 16
_NW = _NC * _NS
_L = 16

_C = 512
_ROWS = 8192

_SC_ROWS = 4096
_TC_ROWS = _ROWS - _SC_ROWS

_PW = _SC_ROWS // _NW
_NPH = 4
_PH_ROWS = _PW // _NPH

_GRP = 8
_NG = _PH_ROWS * _C // (_GRP * _L)
_GPR = _C // (_GRP * _L)

def _sc_partials_kernel(o_hbm, t_hbm, part_hbm,
                        ob, tb, pbuf, so0, st0, so1, st1):
    wid = lax.axis_index("s") * _NC + lax.axis_index("c")
    r0 = wid * _PW
    osems = (so0, so1)
    tsems = (st0, st1)

    def start(g, par):
        r = r0 + g * _PH_ROWS
        pltpu.async_copy(o_hbm.at[pl.ds(r, _PH_ROWS), :], ob.at[par],
                         osems[par])
        pltpu.async_copy(t_hbm.at[pl.ds(r, _PH_ROWS), :], tb.at[par],
                         tsems[par])

    def wait(par):
        pltpu.make_async_copy(o_hbm.at[pl.ds(0, _PH_ROWS), :], ob.at[par],
                              osems[par]).wait()
        pltpu.make_async_copy(t_hbm.at[pl.ds(0, _PH_ROWS), :], tb.at[par],
                              tsems[par]).wait()

    start(0, 0)
    start(1, 1)

    def group_body(par):
        def body(q, accs):
            acc_tp, acc_so, acc_st = accs
            row = q // _GPR
            col = (q % _GPR) * (_GRP * _L)
            for p in range(_GRP):
                o = ob[par, row, pl.ds(col + p * _L, _L)]
                t = tb[par, row, pl.ds(col + p * _L, _L)]
                m = o >= 0.5
                acc_so = acc_so + jnp.where(m, 1.0, 0.0)
                acc_st = acc_st + t
                acc_tp = acc_tp + jnp.where(m, t, 0.0)
            return acc_tp, acc_so, acc_st
        return body

    def phase_body(g, accs):
        par = lax.rem(g, 2)

        @pl.when(par == 0)
        def _():
            wait(0)

        @pl.when(par == 1)
        def _():
            wait(1)

        accs = lax.fori_loop(0, _NG, group_body(par), accs)

        nxt = g + 2

        @pl.when(jnp.logical_and(nxt < _NPH, par == 0))
        def _():
            start(nxt, 0)

        @pl.when(jnp.logical_and(nxt < _NPH, par == 1))
        def _():
            start(nxt, 1)

        return accs

    zeros = jnp.zeros((_L,), jnp.float32)
    acc_tp, acc_so, acc_st = lax.fori_loop(
        0, _NPH, phase_body, (zeros, zeros, zeros))

    pbuf[pl.ds(0, _L)] = acc_tp
    pbuf[pl.ds(_L, _L)] = acc_so
    pbuf[pl.ds(2 * _L, _L)] = acc_st
    pltpu.sync_copy(pbuf, part_hbm.at[wid])


_MG_NB = 4
_MG_RB = 512


def _tc_mega_kernel(nblk, blk0, o_hbm, t_hbm, acc_ref, obuf, tbuf,
                    osem, tsem):
    def start(b, slot):
        r = (blk0 + b) * _MG_RB
        pltpu.async_copy(o_hbm.at[pl.ds(r, _MG_RB), :], obuf.at[slot],
                         osem.at[slot])
        pltpu.async_copy(t_hbm.at[pl.ds(r, _MG_RB), :], tbuf.at[slot],
                         tsem.at[slot])

    def wait(slot):
        pltpu.make_async_copy(o_hbm.at[pl.ds(0, _MG_RB), :], obuf.at[slot],
                              osem.at[slot]).wait()
        pltpu.make_async_copy(t_hbm.at[pl.ds(0, _MG_RB), :], tbuf.at[slot],
                              tsem.at[slot]).wait()

    for s in range(min(_MG_NB, nblk)):
        start(s, s)

    def red(v):
        return jnp.sum(v.reshape(_MG_RB // 8, 8, _C // 128, 128),
                       axis=(0, 2))

    acc_tp = jnp.zeros((8, 128), jnp.float32)
    acc_so = jnp.zeros((8, 128), jnp.float32)
    acc_st = jnp.zeros((8, 128), jnp.float32)
    for b in range(nblk):
        slot = b % _MG_NB
        wait(slot)
        o = obuf[slot]
        t = tbuf[slot]
        m = o >= 0.5
        acc_so = acc_so + red(jnp.where(m, 1.0, 0.0))
        acc_st = acc_st + red(t)
        acc_tp = acc_tp + red(jnp.where(m, t, 0.0))
        if b + _MG_NB < nblk:
            start(b + _MG_NB, slot)

    acc_ref[0] = acc_tp
    acc_ref[1] = acc_so
    acc_ref[2] = acc_st


def _tc_mega(o2, t2, row_off, n_rows):
    return pl.pallas_call(
        functools.partial(_tc_mega_kernel, n_rows // _MG_RB,
                          row_off // _MG_RB),
        in_specs=[
            pl.BlockSpec(memory_space=pltpu.HBM),
            pl.BlockSpec(memory_space=pltpu.HBM),
        ],
        out_shape=jax.ShapeDtypeStruct((3, 8, 128), jnp.float32),
        scratch_shapes=[
            pltpu.VMEM((_MG_NB, _MG_RB, _C), jnp.float32),
            pltpu.VMEM((_MG_NB, _MG_RB, _C), jnp.float32),
            pltpu.SemaphoreType.DMA((_MG_NB,)),
            pltpu.SemaphoreType.DMA((_MG_NB,)),
        ],
    )(o2, t2)


def _finish_kernel(sc_ref, tc_ref, o_ref):
    s = sc_ref[...]
    c = tc_ref[...]
    tp = jnp.sum(s[:, 0:_L]) + jnp.sum(c[0])
    sum_out = jnp.sum(s[:, _L:2 * _L]) + jnp.sum(c[1])
    sum_tgt = jnp.sum(s[:, 2 * _L:3 * _L]) + jnp.sum(c[2])
    fn = sum_tgt - tp
    fp = sum_out - tp
    recall = tp / (tp + fn)
    precision = tp / (tp + fp)
    f = ((1.0 + _BETA_SQUARED) * (precision * recall)
         / (_BETA_SQUARED * precision + recall))
    o_ref[...] = jnp.full((1, 1), f, jnp.float32)


def kernel(outputs, targets):
    o2 = outputs.reshape(_ROWS, _C)
    t2 = targets.reshape(_ROWS, _C)

    mesh = plsc.VectorSubcoreMesh(core_axis_name="c", subcore_axis_name="s",
                                  num_cores=_NC, num_subcores=_NS)
    sc_partials = pl.kernel(
        _sc_partials_kernel,
        out_type=jax.ShapeDtypeStruct((_NW, 3 * _L), jnp.float32),
        mesh=mesh,
        scratch_types=[
            pltpu.VMEM((2, _PH_ROWS, _C), jnp.float32),
            pltpu.VMEM((2, _PH_ROWS, _C), jnp.float32),
            pltpu.VMEM((3 * _L,), jnp.float32),
            pltpu.SemaphoreType.DMA,
            pltpu.SemaphoreType.DMA,
            pltpu.SemaphoreType.DMA,
            pltpu.SemaphoreType.DMA,
        ],
    )(o2, t2)

    tc_partials = _tc_mega(o2, t2, _SC_ROWS, _TC_ROWS)

    f = pl.pallas_call(
        _finish_kernel,
        out_shape=jax.ShapeDtypeStruct((1, 1), jnp.float32),
    )(sc_partials, tc_partials)
    return f.reshape(())

# --- scband reference (transcript-rebuilt; emitter-appended) ---
"""Pipeline reference for scband-fscore-70592082477567 (READ-ONLY COPY).

The authoritative reference and input builder live on the scoring server;
editing this copy changes nothing except your own understanding.
"""

import jax, jax.numpy as jnp
import numpy as np

BETA_SQUARED = 1  # beta=1 -> beta**2


def setup_inputs(seed: int = 0) -> dict:
    key = jax.random.key(seed)
    k1, k2 = jax.random.split(key)
    outputs = jax.random.uniform(k1, (16, 1, 512, 512), dtype=jnp.float32)
    targets = jax.random.randint(k2, (16, 1, 512, 512), 0, 2).astype(jnp.float32)
    return {"outputs": outputs, "targets": targets}


def reference(outputs, targets):
    # Binarize predictions at 0.5, as in torch.where(outputs >= 0.5, 1.0, 0.0)
    out_b = jnp.where(outputs >= 0.5, 1.0, 0.0).reshape(-1)
    tgt = targets.reshape(-1)
    pos = tgt == 1.0
    # Recall: tp = sum(pos_outputs == pos_targets); fn = sum(pos_targets != pos_outputs)
    tp = jnp.sum(jnp.where(pos, (out_b == tgt).astype(jnp.float32), 0.0))
    fn = jnp.sum(jnp.where(pos, (out_b != tgt).astype(jnp.float32), 0.0))
    # Precision: fp = sum over ~pos of (neg_targets != neg_outputs)
    fp = jnp.sum(jnp.where(~pos, (out_b != tgt).astype(jnp.float32), 0.0))
    recall = tp / (tp + fn)
    precision = tp / (tp + fp)
    return (1 + BETA_SQUARED) * (precision * recall) / (BETA_SQUARED * precision + recall)

if __name__ == "__main__":
    import jax
    _d = setup_inputs()
    print(jax.jit(kernel)(*tuple(_d.values())))

</pallas_src>

<mosaic_0001>
#map = affine_map<(d0, d1) -> (0, 0)>
module attributes {stable_mosaic.version = 14 : i64} {
  func.func @_sc_partials_kernel(%arg0: i32, %arg1: i32, %arg2: memref<8192x512xf32, #tpu.memory_space<hbm>>, %arg3: memref<8192x512xf32, #tpu.memory_space<hbm>>, %arg4: memref<32x48xf32, #tpu.memory_space<hbm>>, %arg5: memref<2x32x512xf32, #tpu.memory_space<vmem>>, %arg6: memref<2x32x512xf32, #tpu.memory_space<vmem>>, %arg7: memref<48xf32, #tpu.memory_space<vmem>>, %arg8: memref<!tpu.dma_semaphore, #tpu.memory_space<semaphore_mem>>, %arg9: memref<!tpu.dma_semaphore, #tpu.memory_space<semaphore_mem>>, %arg10: memref<!tpu.dma_semaphore, #tpu.memory_space<semaphore_mem>>, %arg11: memref<!tpu.dma_semaphore, #tpu.memory_space<semaphore_mem>>) attributes {dimension_semantics = [#tpu.dimension_semantics<core_parallel>, #tpu.dimension_semantics<subcore_parallel>], iteration_bounds = array<i64: 2, 16>, scalar_prefetch = 0 : i64, scratch_operands = 7 : i64, tpu.core_type = #tpu.core_type<sc_vector_subcore>, window_params = [{transform_indices = #map}, {transform_indices = #map}, {transform_indices = #map}]} {
    %mul3A = arith.constant 2 : i32
    %mul3A_0 = arith.muli %arg1, %mul3A : i32
    %add3A = arith.addi %mul3A_0, %arg0 : i32
    %mul3A_1 = arith.constant 128 : i32
    %mul3A_2 = arith.muli %add3A, %mul3A_1 : i32
    %add3A_3 = arith.constant 0 : i32
    %add3A_4 = arith.addi %mul3A_2, %add3A_3 : i32
    %dma_start3A = arith.constant 0 : i32
    %dma_start3A_5 = arith.constant 0 : i32
    %dma_start3A_6 = arith.constant 0 : i32
    %dma_start3A_7 = tpu.memref_slice %arg5[%dma_start3A, %dma_start3A_5, %dma_start3A_6] : memref<2x32x512xf32, #tpu.memory_space<vmem>> -> memref<1x32x512xf32, #tpu.memory_space<vmem>>
    %dma_start3A_8 = tpu.memref_squeeze %dma_start3A_7 : memref<1x32x512xf32, #tpu.memory_space<vmem>> -> memref<32x512xf32, #tpu.memory_space<vmem>>
    %dma_start3A_9 = arith.constant 0 : i32
    %dma_start3A_10 = tpu.memref_slice %arg2[%add3A_4, %dma_start3A_9] : memref<8192x512xf32, #tpu.memory_space<hbm>> -> memref<32x512xf32, #tpu.memory_space<hbm>>
    %dma_start3A_11 = arith.constant 0 : i32
    %dma_start3A_12 = arith.constant 0 : i32
    %dma_start3A_13 = tpu.memref_slice %arg5[%dma_start3A, %dma_start3A_11, %dma_start3A_12] : memref<2x32x512xf32, #tpu.memory_space<vmem>> -> memref<1x32x512xf32, #tpu.memory_space<vmem>>
    %dma_start3A_14 = tpu.memref_squeeze %dma_start3A_13 : memref<1x32x512xf32, #tpu.memory_space<vmem>> -> memref<32x512xf32, #tpu.memory_space<vmem>>
    %dma_start3A_15 = arith.constant 0 : i32
    %dma_start3A_16 = tpu.memref_slice %arg2[%add3A_4, %dma_start3A_15] : memref<8192x512xf32, #tpu.memory_space<hbm>> -> memref<32x512xf32, #tpu.memory_space<hbm>>
    tpu.enqueue_dma source(%dma_start3A_16 : memref<32x512xf32, #tpu.memory_space<hbm>>) target(%dma_start3A_14 : memref<32x512xf32, #tpu.memory_space<vmem>>) target_semaphore(%arg8 : memref<!tpu.dma_semaphore, #tpu.memory_space<semaphore_mem>>)
    %dma_start3A_17 = arith.constant 0 : i32
    %dma_start3A_18 = arith.constant 0 : i32
    %dma_start3A_19 = arith.constant 0 : i32
    %dma_start3A_20 = tpu.memref_slice %arg6[%dma_start3A_17, %dma_start3A_18, %dma_start3A_19] : memref<2x32x512xf32, #tpu.memory_space<vmem>> -> memref<1x32x512xf32, #tpu.memory_space<vmem>>
    %dma_start3A_21 = tpu.memref_squeeze %dma_start3A_20 : memref<1x32x512xf32, #tpu.memory_space<vmem>> -> memref<32x512xf32, #tpu.memory_space<vmem>>
    %dma_start3A_22 = arith.constant 0 : i32
    %dma_start3A_23 = tpu.memref_slice %arg3[%add3A_4, %dma_start3A_22] : memref<8192x512xf32, #tpu.memory_space<hbm>> -> memref<32x512xf32, #tpu.memory_space<hbm>>
    %dma_start3A_24 = arith.constant 0 : i32
    %dma_start3A_25 = arith.constant 0 : i32
    %dma_start3A_26 = tpu.memref_slice %arg6[%dma_start3A_17, %dma_start3A_24, %dma_start3A_25] : memref<2x32x512xf32, #tpu.memory_space<vmem>> -> memref<1x32x512xf32, #tpu.memory_space<vmem>>
    %dma_start3A_27 = tpu.memref_squeeze %dma_start3A_26 : memref<1x32x512xf32, #tpu.memory_space<vmem>> -> memref<32x512xf32, #tpu.memory_space<vmem>>
    %dma_start3A_28 = arith.constant 0 : i32
    %dma_start3A_29 = tpu.memref_slice %arg3[%add3A_4, %dma_start3A_28] : memref<8192x512xf32, #tpu.memory_space<hbm>> -> memref<32x512xf32, #tpu.memory_space<hbm>>
    tpu.enqueue_dma source(%dma_start3A_29 : memref<32x512xf32, #tpu.memory_space<hbm>>) target(%dma_start3A_27 : memref<32x512xf32, #tpu.memory_space<vmem>>) target_semaphore(%arg9 : memref<!tpu.dma_semaphore, #tpu.memory_space<semaphore_mem>>)
    %add3A_30 = arith.constant 32 : i32
    %add3A_31 = arith.addi %mul3A_2, %add3A_30 : i32
    %dma_start3A_32 = arith.constant 1 : i32
    %dma_start3A_33 = arith.constant 0 : i32
    %dma_start3A_34 = arith.constant 0 : i32
    %dma_start3A_35 = tpu.memref_slice %arg5[%dma_start3A_32, %dma_start3A_33, %dma_start3A_34] : memref<2x32x512xf32, #tpu.memory_space<vmem>> -> memref<1x32x512xf32, #tpu.memory_space<vmem>>
    %dma_start3A_36 = tpu.memref_squeeze %dma_start3A_35 : memref<1x32x512xf32, #tpu.memory_space<vmem>> -> memref<32x512xf32, #tpu.memory_space<vmem>>
    %dma_start3A_37 = arith.constant 0 : i32
    %dma_start3A_38 = tpu.memref_slice %arg2[%add3A_31, %dma_start3A_37] : memref<8192x512xf32, #tpu.memory_space<hbm>> -> memref<32x512xf32, #tpu.memory_space<hbm>>
    %dma_start3A_39 = arith.constant 0 : i32
    %dma_start3A_40 = arith.constant 0 : i32
    %dma_start3A_41 = tpu.memref_slice %arg5[%dma_start3A_32, %dma_start3A_39, %dma_start3A_40] : memref<2x32x512xf32, #tpu.memory_space<vmem>> -> memref<1x32x512xf32, #tpu.memory_space<vmem>>
    %dma_start3A_42 = tpu.memref_squeeze %dma_start3A_41 : memref<1x32x512xf32, #tpu.memory_space<vmem>> -> memref<32x512xf32, #tpu.memory_space<vmem>>
    %dma_start3A_43 = arith.constant 0 : i32
    %dma_start3A_44 = tpu.memref_slice %arg2[%add3A_31, %dma_start3A_43] : memref<8192x512xf32, #tpu.memory_space<hbm>> -> memref<32x512xf32, #tpu.memory_space<hbm>>
    tpu.enqueue_dma source(%dma_start3A_44 : memref<32x512xf32, #tpu.memory_space<hbm>>) target(%dma_start3A_42 : memref<32x512xf32, #tpu.memory_space<vmem>>) target_semaphore(%arg10 : memref<!tpu.dma_semaphore, #tpu.memory_space<semaphore_mem>>)
    %dma_start3A_45 = arith.constant 1 : i32
    %dma_start3A_46 = arith.constant 0 : i32
    %dma_start3A_47 = arith.constant 0 : i32
    %dma_start3A_48 = tpu.memref_slice %arg6[%dma_start3A_45, %dma_start3A_46, %dma_start3A_47] : memref<2x32x512xf32, #tpu.memory_space<vmem>> -> memref<1x32x512xf32, #tpu.memory_space<vmem>>
    %dma_start3A_49 = tpu.memref_squeeze %dma_start3A_48 : memref<1x32x512xf32, #tpu.memory_space<vmem>> -> memref<32x512xf32, #tpu.memory_space<vmem>>
    %dma_start3A_50 = arith.constant 0 : i32
    %dma_start3A_51 = tpu.memref_slice %arg3[%add3A_31, %dma_start3A_50] : memref<8192x512xf32, #tpu.memory_space<hbm>> -> memref<32x512xf32, #tpu.memory_space<hbm>>
    %dma_start3A_52 = arith.constant 0 : i32
    %dma_start3A_53 = arith.constant 0 : i32
    %dma_start3A_54 = tpu.memref_slice %arg6[%dma_start3A_45, %dma_start3A_52, %dma_start3A_53] : memref<2x32x512xf32, #tpu.memory_space<vmem>> -> memref<1x32x512xf32, #tpu.memory_space<vmem>>
    %dma_start3A_55 = tpu.memref_squeeze %dma_start3A_54 : memref<1x32x512xf32, #tpu.memory_space<vmem>> -> memref<32x512xf32, #tpu.memory_space<vmem>>
    %dma_start3A_56 = arith.constant 0 : i32
    %dma_start3A_57 = tpu.memref_slice %arg3[%add3A_31, %dma_start3A_56] : memref<8192x512xf32, #tpu.memory_space<hbm>> -> memref<32x512xf32, #tpu.memory_space<hbm>>
    tpu.enqueue_dma source(%dma_start3A_57 : memref<32x512xf32, #tpu.memory_space<hbm>>) target(%dma_start3A_55 : memref<32x512xf32, #tpu.memory_space<vmem>>) target_semaphore(%arg11 : memref<!tpu.dma_semaphore, #tpu.memory_space<semaphore_mem>>)
    %broadcast_in_dim3A = arith.constant 0.000000e+00 : f32
    %broadcast_in_dim3A_58 = vector.broadcast %broadcast_in_dim3A : f32 to vector<16xf32>
    %scan3A = arith.constant 0 : i32
    %scan3A_59 = arith.constant 4 : i32
    %scan3A_60 = arith.addi %scan3A, %scan3A_59 : i32
    %scan3A_61 = arith.constant 1 : i32
    %scan3A_62:3 = scf.for %scan3A_75 = %scan3A to %scan3A_60 step %scan3A_61 iter_args(%scan3A_76 = %broadcast_in_dim3A_58, %scan3A_77 = %broadcast_in_dim3A_58, %scan3A_78 = %broadcast_in_dim3A_58) -> (vector<16xf32>, vector<16xf32>, vector<16xf32>)  : i32 {
      %rem3A = arith.constant 2 : i32
      %rem3A_79 = arith.remsi %scan3A_75, %rem3A : i32
      %eq3A = arith.constant 0 : i32
      %eq3A_80 = arith.cmpi eq, %rem3A_79, %eq3A : i32
      %convert_element_type3A = arith.extui %eq3A_80 : i1 to i32
      %cond3A = arith.constant 0 : i32
      %cond3A_81 = arith.cmpi ne, %convert_element_type3A, %cond3A : i32
      scf.if %cond3A_81 {
        %dma_wait3A = arith.constant 0 : i32
        %dma_wait3A_109 = arith.constant 0 : i32
        %dma_wait3A_110 = arith.constant 0 : i32
        %dma_wait3A_111 = tpu.memref_slice %arg5[%dma_wait3A, %dma_wait3A_109, %dma_wait3A_110] : memref<2x32x512xf32, #tpu.memory_space<vmem>> -> memref<1x32x512xf32, #tpu.memory_space<vmem>>
        %dma_wait3A_112 = tpu.memref_squeeze %dma_wait3A_111 : memref<1x32x512xf32, #tpu.memory_space<vmem>> -> memref<32x512xf32, #tpu.memory_space<vmem>>
        %dma_wait3A_113 = arith.constant 0 : i32
        %dma_wait3A_114 = arith.constant 0 : i32
        %dma_wait3A_115 = tpu.memref_slice %arg2[%dma_wait3A_113, %dma_wait3A_114] : memref<8192x512xf32, #tpu.memory_space<hbm>> -> memref<32x512xf32, #tpu.memory_space<hbm>>
        %dma_wait3A_116 = arith.constant 0 : i32
        %dma_wait3A_117 = arith.constant 0 : i32
        %dma_wait3A_118 = tpu.memref_slice %arg5[%dma_wait3A, %dma_wait3A_116, %dma_wait3A_117] : memref<2x32x512xf32, #tpu.memory_space<vmem>> -> memref<1x32x512xf32, #tpu.memory_space<vmem>>
        %dma_wait3A_119 = tpu.memref_squeeze %dma_wait3A_118 : memref<1x32x512xf32, #tpu.memory_space<vmem>> -> memref<32x512xf32, #tpu.memory_space<vmem>>
        %dma_wait3A_120 = arith.constant 0 : i32
        %dma_wait3A_121 = arith.constant 0 : i32
        %dma_wait3A_122 = tpu.memref_slice %arg2[%dma_wait3A_120, %dma_wait3A_121] : memref<8192x512xf32, #tpu.memory_space<hbm>> -> memref<32x512xf32, #tpu.memory_space<hbm>>
        tpu.wait_dma2 semaphore(%arg8 : memref<!tpu.dma_semaphore, #tpu.memory_space<semaphore_mem>>) src(%dma_wait3A_122 : memref<32x512xf32, #tpu.memory_space<hbm>>) dst(%dma_wait3A_119 : memref<32x512xf32, #tpu.memory_space<vmem>>)
        %dma_wait3A_123 = arith.constant 0 : i32
        %dma_wait3A_124 = arith.constant 0 : i32
        %dma_wait3A_125 = arith.constant 0 : i32
        %dma_wait3A_126 = tpu.memref_slice %arg6[%dma_wait3A_123, %dma_wait3A_124, %dma_wait3A_125] : memref<2x32x512xf32, #tpu.memory_space<vmem>> -> memref<1x32x512xf32, #tpu.memory_space<vmem>>
        %dma_wait3A_127 = tpu.memref_squeeze %dma_wait3A_126 : memref<1x32x512xf32, #tpu.memory_space<vmem>> -> memref<32x512xf32, #tpu.memory_space<vmem>>
        %dma_wait3A_128 = arith.constant 0 : i32
        %dma_wait3A_129 = arith.constant 0 : i32
        %dma_wait3A_130 = tpu.memref_slice %arg3[%dma_wait3A_128, %dma_wait3A_129] : memref<8192x512xf32, #tpu.memory_space<hbm>> -> memref<32x512xf32, #tpu.memory_space<hbm>>
        %dma_wait3A_131 = arith.constant 0 : i32
        %dma_wait3A_132 = arith.constant 0 : i32
        %dma_wait3A_133 = tpu.memref_slice %arg6[%dma_wait3A_123, %dma_wait3A_131, %dma_wait3A_132] : memref<2x32x512xf32, #tpu.memory_space<vmem>> -> memref<1x32x512xf32, #tpu.memory_space<vmem>>
        %dma_wait3A_134 = tpu.memref_squeeze %dma_wait3A_133 : memref<1x32x512xf32, #tpu.memory_space<vmem>> -> memref<32x512xf32, #tpu.memory_space<vmem>>
        %dma_wait3A_135 = arith.constant 0 : i32
        %dma_wait3A_136 = arith.constant 0 : i32
        %dma_wait3A_137 = tpu.memref_slice %arg3[%dma_wait3A_135, %dma_wait3A_136] : memref<8192x512xf32, #tpu.memory_space<hbm>> -> memref<32x512xf32, #tpu.memory_space<hbm>>
        tpu.wait_dma2 semaphore(%arg9 : memref<!tpu.dma_semaphore, #tpu.memory_space<semaphore_mem>>) src(%dma_wait3A_137 : memref<32x512xf32, #tpu.memory_space<hbm>>) dst(%dma_wait3A_134 : memref<32x512xf32, #tpu.memory_space<vmem>>)
      } else {
      }
      %eq3A_82 = arith.constant 1 : i32
      %eq3A_83 = arith.cmpi eq, %rem3A_79, %eq3A_82 : i32
      %convert_element_type3A_84 = arith.extui %eq3A_83 : i1 to i32
      %cond3A_85 = arith.constant 0 : i32
      %cond3A_86 = arith.cmpi ne, %convert_element_type3A_84, %cond3A_85 : i32
      scf.if %cond3A_86 {
        %dma_wait3A = arith.constant 1 : i32
        %dma_wait3A_109 = arith.constant 0 : i32
        %dma_wait3A_110 = arith.constant 0 : i32
        %dma_wait3A_111 = tpu.memref_slice %arg5[%dma_wait3A, %dma_wait3A_109, %dma_wait3A_110] : memref<2x32x512xf32, #tpu.memory_space<vmem>> -> memref<1x32x512xf32, #tpu.memory_space<vmem>>
        %dma_wait3A_112 = tpu.memref_squeeze %dma_wait3A_111 : memref<1x32x512xf32, #tpu.memory_space<vmem>> -> memref<32x512xf32, #tpu.memory_space<vmem>>
        %dma_wait3A_113 = arith.constant 0 : i32
        %dma_wait3A_114 = arith.constant 0 : i32
        %dma_wait3A_115 = tpu.memref_slice %arg2[%dma_wait3A_113, %dma_wait3A_114] : memref<8192x512xf32, #tpu.memory_space<hbm>> -> memref<32x512xf32, #tpu.memory_space<hbm>>
        %dma_wait3A_116 = arith.constant 0 : i32
        %dma_wait3A_117 = arith.constant 0 : i32
        %dma_wait3A_118 = tpu.memref_slice %arg5[%dma_wait3A, %dma_wait3A_116, %dma_wait3A_117] : memref<2x32x512xf32, #tpu.memory_space<vmem>> -> memref<1x32x512xf32, #tpu.memory_space<vmem>>
        %dma_wait3A_119 = tpu.memref_squeeze %dma_wait3A_118 : memref<1x32x512xf32, #tpu.memory_space<vmem>> -> memref<32x512xf32, #tpu.memory_space<vmem>>
        %dma_wait3A_120 = arith.constant 0 : i32
        %dma_wait3A_121 = arith.constant 0 : i32
        %dma_wait3A_122 = tpu.memref_slice %arg2[%dma_wait3A_120, %dma_wait3A_121] : memref<8192x512xf32, #tpu.memory_space<hbm>> -> memref<32x512xf32, #tpu.memory_space<hbm>>
        tpu.wait_dma2 semaphore(%arg10 : memref<!tpu.dma_semaphore, #tpu.memory_space<semaphore_mem>>) src(%dma_wait3A_122 : memref<32x512xf32, #tpu.memory_space<hbm>>) dst(%dma_wait3A_119 : memref<32x512xf32, #tpu.memory_space<vmem>>)
        %dma_wait3A_123 = arith.constant 1 : i32
        %dma_wait3A_124 = arith.constant 0 : i32
        %dma_wait3A_125 = arith.constant 0 : i32
        %dma_wait3A_126 = tpu.memref_slice %arg6[%dma_wait3A_123, %dma_wait3A_124, %dma_wait3A_125] : memref<2x32x512xf32, #tpu.memory_space<vmem>> -> memref<1x32x512xf32, #tpu.memory_space<vmem>>
        %dma_wait3A_127 = tpu.memref_squeeze %dma_wait3A_126 : memref<1x32x512xf32, #tpu.memory_space<vmem>> -> memref<32x512xf32, #tpu.memory_space<vmem>>
        %dma_wait3A_128 = arith.constant 0 : i32
        %dma_wait3A_129 = arith.constant 0 : i32
        %dma_wait3A_130 = tpu.memref_slice %arg3[%dma_wait3A_128, %dma_wait3A_129] : memref<8192x512xf32, #tpu.memory_space<hbm>> -> memref<32x512xf32, #tpu.memory_space<hbm>>
        %dma_wait3A_131 = arith.constant 0 : i32
        %dma_wait3A_132 = arith.constant 0 : i32
        %dma_wait3A_133 = tpu.memref_slice %arg6[%dma_wait3A_123, %dma_wait3A_131, %dma_wait3A_132] : memref<2x32x512xf32, #tpu.memory_space<vmem>> -> memref<1x32x512xf32, #tpu.memory_space<vmem>>
        %dma_wait3A_134 = tpu.memref_squeeze %dma_wait3A_133 : memref<1x32x512xf32, #tpu.memory_space<vmem>> -> memref<32x512xf32, #tpu.memory_space<vmem>>
        %dma_wait3A_135 = arith.constant 0 : i32
        %dma_wait3A_136 = arith.constant 0 : i32
        %dma_wait3A_137 = tpu.memref_slice %arg3[%dma_wait3A_135, %dma_wait3A_136] : memref<8192x512xf32, #tpu.memory_space<hbm>> -> memref<32x512xf32, #tpu.memory_space<hbm>>
        tpu.wait_dma2 semaphore(%arg11 : memref<!tpu.dma_semaphore, #tpu.memory_space<semaphore_mem>>) src(%dma_wait3A_137 : memref<32x512xf32, #tpu.memory_space<hbm>>) dst(%dma_wait3A_134 : memref<32x512xf32, #tpu.memory_space<vmem>>)
      } else {
      }
      %scan3A_87 = arith.constant 0 : i32
      %scan3A_88 = arith.constant 128 : i32
      %scan3A_89 = arith.addi %scan3A_87, %scan3A_88 : i32
      %scan3A_90 = arith.constant 1 : i32
      %scan3A_91:3 = scf.for %scan3A_109 = %scan3A_87 to %scan3A_89 step %scan3A_90 iter_args(%scan3A_110 = %scan3A_76, %scan3A_111 = %scan3A_77, %scan3A_112 = %scan3A_78) -> (vector<16xf32>, vector<16xf32>, vector<16xf32>)  : i32 {
        %jit3A = arith.constant 4 : i32
        %div3A = arith.divsi %scan3A_109, %jit3A : i32
        %sign3A = arith.constant 0 : i32
        %sign3A_113 = arith.cmpi sgt, %scan3A_109, %sign3A : i32
        %sign3A_114 = arith.extui %sign3A_113 : i1 to i32
        %sign3A_115 = arith.constant 0 : i32
        %sign3A_116 = arith.cmpi slt, %scan3A_109, %sign3A_115 : i32
        %sign3A_117 = arith.extui %sign3A_116 : i1 to i32
        %sign3A_118 = arith.subi %sign3A_114, %sign3A_117 : i32
        %sign3A_119 = arith.constant 0 : i32
        %sign3A_120 = arith.cmpi sgt, %jit3A, %sign3A_119 : i32
        %sign3A_121 = arith.extui %sign3A_120 : i1 to i32
        %sign3A_122 = arith.constant 0 : i32
        %sign3A_123 = arith.cmpi slt, %jit3A, %sign3A_122 : i32
        %sign3A_124 = arith.extui %sign3A_123 : i1 to i32
        %sign3A_125 = arith.subi %sign3A_121, %sign3A_124 : i32
        %ne3A = arith.cmpi ne, %sign3A_118, %sign3A_125 : i32
        %rem3A_126 = arith.remsi %scan3A_109, %jit3A : i32
        %ne3A_127 = arith.constant 0 : i32
        %ne3A_128 = arith.cmpi ne, %rem3A_126, %ne3A_127 : i32
        %and3A_129 = arith.andi %ne3A, %ne3A_128 : i1
        %sub3A = arith.constant 1 : i32
        %sub3A_130 = arith.subi %div3A, %sub3A : i32
        %select_n3A = arith.select %and3A_129, %sub3A_130, %div3A : i32
        %jit3A_131 = arith.constant 4 : i32
        %eq3A_132 = arith.constant 0 : i32
        %eq3A_133 = arith.cmpi eq, %jit3A_131, %eq3A_132 : i32
        %jit3A_134 = arith.constant 1 : i32
        %select_n3A_135 = arith.select %eq3A_133, %jit3A_134, %jit3A_131 : i32
        %rem3A_136 = arith.remsi %scan3A_109, %select_n3A_135 : i32
        %ne3A_137 = arith.constant 0 : i32
        %ne3A_138 = arith.cmpi ne, %rem3A_136, %ne3A_137 : i32
        %lt3A_139 = arith.constant 0 : i32
        %lt3A_140 = arith.cmpi slt, %rem3A_136, %lt3A_139 : i32
        %lt3A_141 = arith.constant 0 : i32
        %lt3A_142 = arith.cmpi slt, %select_n3A_135, %lt3A_141 : i32
        %ne3A_143 = arith.xori %lt3A_140, %lt3A_142 : i1
        %and3A_144 = arith.andi %ne3A_143, %ne3A_138 : i1
        %add3A_145 = arith.addi %rem3A_136, %select_n3A_135 : i32
        %select_n3A_146 = arith.select %and3A_144, %add3A_145, %rem3A_136 : i32
        %mul3A_147 = arith.constant 128 : i32
        %mul3A_148 = arith.muli %select_n3A_146, %mul3A_147 : i32
        %add3A_149 = arith.constant 0 : i32
        %add3A_150 = arith.addi %mul3A_148, %add3A_149 : i32
        %get3A = arith.index_cast %rem3A_79 : i32 to index
        %get3A_151 = arith.index_cast %select_n3A : i32 to index
        %get3A_152 = arith.index_cast %add3A_150 : i32 to index
        %get3A_153 = tpu.vector_load %arg5[%get3A, %get3A_151, %get3A_152] {strides = array<i32>} : memref<2x32x512xf32, #tpu.memory_space<vmem>>, vector<1x1x16xf32>,
        %get3A_154 = vector.shape_cast %get3A_153 : vector<1x1x16xf32> to vector<16xf32>
        %add3A_155 = arith.constant 0 : i32
        %add3A_156 = arith.addi %mul3A_148, %add3A_155 : i32
        %get3A_157 = arith.index_cast %rem3A_79 : i32 to index
        %get3A_158 = arith.index_cast %select_n3A : i32 to index
        %get3A_159 = arith.index_cast %add3A_156 : i32 to index
        %get3A_160 = tpu.vector_load %arg6[%get3A_157, %get3A_158, %get3A_159] {strides = array<i32>} : memref<2x32x512xf32, #tpu.memory_space<vmem>>, vector<1x1x16xf32>,
        %get3A_161 = vector.shape_cast %get3A_160 : vector<1x1x16xf32> to vector<16xf32>
        %ge3A = arith.constant 5.000000e-01 : f32
        %ge3A_162 = vector.broadcast %ge3A : f32 to vector<16xf32>
        %ge3A_163 = arith.cmpf oge, %get3A_154, %ge3A_162 : vector<16xf32>
        %jit3A_164 = arith.constant 1.000000e+00 : f32
        %jit3A_165 = arith.constant 0.000000e+00 : f32
        %broadcast_in_dim3A_166 = vector.broadcast %jit3A_164 : f32 to vector<16xf32>
        %broadcast_in_dim3A_167 = vector.broadcast %jit3A_165 : f32 to vector<16xf32>
        %select_n3A_168 = arith.select %ge3A_163, %broadcast_in_dim3A_166, %broadcast_in_dim3A_167 : vector<16xi1>, vector<16xf32>
        %add3A_169 = arith.addf %scan3A_111, %select_n3A_168 : vector<16xf32>
        %add3A_170 = arith.addf %scan3A_112, %get3A_161 : vector<16xf32>
        %jit3A_171 = arith.constant 0.000000e+00 : f32
        %broadcast_in_dim3A_172 = vector.broadcast %jit3A_171 : f32 to vector<16xf32>
        %select_n3A_173 = arith.select %ge3A_163, %get3A_161, %broadcast_in_dim3A_172 : vector<16xi1>, vector<16xf32>
        %add3A_174 = arith.addf %scan3A_110, %select_n3A_173 : vector<16xf32>
        %add3A_175 = arith.constant 16 : i32
        %add3A_176 = arith.addi %mul3A_148, %add3A_175 : i32
        %get3A_177 = arith.index_cast %rem3A_79 : i32 to index
        %get3A_178 = arith.index_cast %select_n3A : i32 to index
        %get3A_179 = arith.index_cast %add3A_176 : i32 to index
        %get3A_180 = tpu.vector_load %arg5[%get3A_177, %get3A_178, %get3A_179] {strides = array<i32>} : memref<2x32x512xf32, #tpu.memory_space<vmem>>, vector<1x1x16xf32>,
        %get3A_181 = vector.shape_cast %get3A_180 : vector<1x1x16xf32> to vector<16xf32>
        %add3A_182 = arith.constant 16 : i32
        %add3A_183 = arith.addi %mul3A_148, %add3A_182 : i32
        %get3A_184 = arith.index_cast %rem3A_79 : i32 to index
        %get3A_185 = arith.index_cast %select_n3A : i32 to index
        %get3A_186 = arith.index_cast %add3A_183 : i32 to index
        %get3A_187 = tpu.vector_load %arg6[%get3A_184, %get3A_185, %get3A_186] {strides = array<i32>} : memref<2x32x512xf32, #tpu.memory_space<vmem>>, vector<1x1x16xf32>,
        %get3A_188 = vector.shape_cast %get3A_187 : vector<1x1x16xf32> to vector<16xf32>
        %ge3A_189 = arith.constant 5.000000e-01 : f32
        %ge3A_190 = vector.broadcast %ge3A_189 : f32 to vector<16xf32>
        %ge3A_191 = arith.cmpf oge, %get3A_181, %ge3A_190 : vector<16xf32>
        %jit3A_192 = arith.constant 1.000000e+00 : f32
        %jit3A_193 = arith.constant 0.000000e+00 : f32
        %broadcast_in_dim3A_194 = vector.broadcast %jit3A_192 : f32 to vector<16xf32>
        %broadcast_in_dim3A_195 = vector.broadcast %jit3A_193 : f32 to vector<16xf32>
        %select_n3A_196 = arith.select %ge3A_191, %broadcast_in_dim3A_194, %broadcast_in_dim3A_195 : vector<16xi1>, vector<16xf32>
        %add3A_197 = arith.addf %add3A_169, %select_n3A_196 : vector<16xf32>
        %add3A_198 = arith.addf %add3A_170, %get3A_188 : vector<16xf32>
        %jit3A_199 = arith.constant 0.000000e+00 : f32
        %broadcast_in_dim3A_200 = vector.broadcast %jit3A_199 : f32 to vector<16xf32>
        %select_n3A_201 = arith.select %ge3A_191, %get3A_188, %broadcast_in_dim3A_200 : vector<16xi1>, vector<16xf32>
        %add3A_202 = arith.addf %add3A_174, %select_n3A_201 : vector<16xf32>
        %add3A_203 = arith.constant 32 : i32
        %add3A_204 = arith.addi %mul3A_148, %add3A_203 : i32
        %get3A_205 = arith.index_cast %rem3A_79 : i32 to index
        %get3A_206 = arith.index_cast %select_n3A : i32 to index
        %get3A_207 = arith.index_cast %add3A_204 : i32 to index
        %get3A_208 = tpu.vector_load %arg5[%get3A_205, %get3A_206, %get3A_207] {strides = array<i32>} : memref<2x32x512xf32, #tpu.memory_space<vmem>>, vector<1x1x16xf32>,
        %get3A_209 = vector.shape_cast %get3A_208 : vector<1x1x16xf32> to vector<16xf32>
        %add3A_210 = arith.constant 32 : i32
        %add3A_211 = arith.addi %mul3A_148, %add3A_210 : i32
        %get3A_212 = arith.index_cast %rem3A_79 : i32 to index
        %get3A_213 = arith.index_cast %select_n3A : i32 to index
        %get3A_214 = arith.index_cast %add3A_211 : i32 to index
        %get3A_215 = tpu.vector_load %arg6[%get3A_212, %get3A_213, %get3A_214] {strides = array<i32>} : memref<2x32x512xf32, #tpu.memory_space<vmem>>, vector<1x1x16xf32>,
        %get3A_216 = vector.shape_cast %get3A_215 : vector<1x1x16xf32> to vector<16xf32>
        %ge3A_217 = arith.constant 5.000000e-01 : f32
        %ge3A_218 = vector.broadcast %ge3A_217 : f32 to vector<16xf32>
        %ge3A_219 = arith.cmpf oge, %get3A_209, %ge3A_218 : vector<16xf32>
        %jit3A_220 = arith.constant 1.000000e+00 : f32
        %jit3A_221 = arith.constant 0.000000e+00 : f32
        %broadcast_in_dim3A_222 = vector.broadcast %jit3A_220 : f32 to vector<16xf32>
        %broadcast_in_dim3A_223 = vector.broadcast %jit3A_221 : f32 to vector<16xf32>
        %select_n3A_224 = arith.select %ge3A_219, %broadcast_in_dim3A_222, %broadcast_in_dim3A_223 : vector<16xi1>, vector<16xf32>
        %add3A_225 = arith.addf %add3A_197, %select_n3A_224 : vector<16xf32>
        %add3A_226 = arith.addf %add3A_198, %get3A_216 : vector<16xf32>
        %jit3A_227 = arith.constant 0.000000e+00 : f32
        %broadcast_in_dim3A_228 = vector.broadcast %jit3A_227 : f32 to vector<16xf32>
        %select_n3A_229 = arith.select %ge3A_219, %get3A_216, %broadcast_in_dim3A_228 : vector<16xi1>, vector<16xf32>
        %add3A_230 = arith.addf %add3A_202, %select_n3A_229 : vector<16xf32>
        %add3A_231 = arith.constant 48 : i32
        %add3A_232 = arith.addi %mul3A_148, %add3A_231 : i32
        %get3A_233 = arith.index_cast %rem3A_79 : i32 to index
        %get3A_234 = arith.index_cast %select_n3A : i32 to index
        %get3A_235 = arith.index_cast %add3A_232 : i32 to index
        %get3A_236 = tpu.vector_load %arg5[%get3A_233, %get3A_234, %get3A_235] {strides = array<i32>} : memref<2x32x512xf32, #tpu.memory_space<vmem>>, vector<1x1x16xf32>,
        %get3A_237 = vector.shape_cast %get3A_236 : vector<1x1x16xf32> to vector<16xf32>
        %add3A_238 = arith.constant 48 : i32
        %add3A_239 = arith.addi %mul3A_148, %add3A_238 : i32
        %get3A_240 = arith.index_cast %rem3A_79 : i32 to index
        %get3A_241 = arith.index_cast %select_n3A : i32 to index
        %get3A_242 = arith.index_cast %add3A_239 : i32 to index
        %get3A_243 = tpu.vector_load %arg6[%get3A_240, %get3A_241, %get3A_242] {strides = array<i32>} : memref<2x32x512xf32, #tpu.memory_space<vmem>>, vector<1x1x16xf32>,
        %get3A_244 = vector.shape_cast %get3A_243 : vector<1x1x16xf32> to vector<16xf32>
        %ge3A_245 = arith.constant 5.000000e-01 : f32
        %ge3A_246 = vector.broadcast %ge3A_245 : f32 to vector<16xf32>
        %ge3A_247 = arith.cmpf oge, %get3A_237, %ge3A_246 : vector<16xf32>
        %jit3A_248 = arith.constant 1.000000e+00 : f32
        %jit3A_249 = arith.constant 0.000000e+00 : f32
        %broadcast_in_dim3A_250 = vector.broadcast %jit3A_248 : f32 to vector<16xf32>
        %broadcast_in_dim3A_251 = vector.broadcast %jit3A_249 : f32 to vector<16xf32>
        %select_n3A_252 = arith.select %ge3A_247, %broadcast_in_dim3A_250, %broadcast_in_dim3A_251 : vector<16xi1>, vector<16xf32>
        %add3A_253 = arith.addf %add3A_225, %select_n3A_252 : vector<16xf32>
        %add3A_254 = arith.addf %add3A_226, %get3A_244 : vector<16xf32>
        %jit3A_255 = arith.constant 0.000000e+00 : f32
        %broadcast_in_dim3A_256 = vector.broadcast %jit3A_255 : f32 to vector<16xf32>
        %select_n3A_257 = arith.select %ge3A_247, %get3A_244, %broadcast_in_dim3A_256 : vector<16xi1>, vector<16xf32>
        %add3A_258 = arith.addf %add3A_230, %select_n3A_257 : vector<16xf32>
        %add3A_259 = arith.constant 64 : i32
        %add3A_260 = arith.addi %mul3A_148, %add3A_259 : i32
        %get3A_261 = arith.index_cast %rem3A_79 : i32 to index
        %get3A_262 = arith.index_cast %select_n3A : i32 to index
        %get3A_263 = arith.index_cast %add3A_260 : i32 to index
        %get3A_264 = tpu.vector_load %arg5[%get3A_261, %get3A_262, %get3A_263] {strides = array<i32>} : memref<2x32x512xf32, #tpu.memory_space<vmem>>, vector<1x1x16xf32>,
        %get3A_265 = vector.shape_cast %get3A_264 : vector<1x1x16xf32> to vector<16xf32>
        %add3A_266 = arith.constant 64 : i32
        %add3A_267 = arith.addi %mul3A_148, %add3A_266 : i32
        %get3A_268 = arith.index_cast %rem3A_79 : i32 to index
        %get3A_269 = arith.index_cast %select_n3A : i32 to index
        %get3A_270 = arith.index_cast %add3A_267 : i32 to index
        %get3A_271 = tpu.vector_load %arg6[%get3A_268, %get3A_269, %get3A_270] {strides = array<i32>} : memref<2x32x512xf32, #tpu.memory_space<vmem>>, vector<1x1x16xf32>,
        %get3A_272 = vector.shape_cast %get3A_271 : vector<1x1x16xf32> to vector<16xf32>
        %ge3A_273 = arith.constant 5.000000e-01 : f32
        %ge3A_274 = vector.broadcast %ge3A_273 : f32 to vector<16xf32>
        %ge3A_275 = arith.cmpf oge, %get3A_265, %ge3A_274 : vector<16xf32>
        %jit3A_276 = arith.constant 1.000000e+00 : f32
        %jit3A_277 = arith.constant 0.000000e+00 : f32
        %broadcast_in_dim3A_278 = vector.broadcast %jit3A_276 : f32 to vector<16xf32>
        %broadcast_in_dim3A_279 = vector.broadcast %jit3A_277 : f32 to vector<16xf32>
        %select_n3A_280 = arith.select %ge3A_275, %broadcast_in_dim3A_278, %broadcast_in_dim3A_279 : vector<16xi1>, vector<16xf32>
        %add3A_281 = arith.addf %add3A_253, %select_n3A_280 : vector<16xf32>
        %add3A_282 = arith.addf %add3A_254, %get3A_272 : vector<16xf32>
        %jit3A_283 = arith.constant 0.000000e+00 : f32
        %broadcast_in_dim3A_284 = vector.broadcast %jit3A_283 : f32 to vector<16xf32>
        %select_n3A_285 = arith.select %ge3A_275, %get3A_272, %broadcast_in_dim3A_284 : vector<16xi1>, vector<16xf32>
        %add3A_286 = arith.addf %add3A_258, %select_n3A_285 : vector<16xf32>
        %add3A_287 = arith.constant 80 : i32
        %add3A_288 = arith.addi %mul3A_148, %add3A_287 : i32
        %get3A_289 = arith.index_cast %rem3A_79 : i32 to index
        %get3A_290 = arith.index_cast %select_n3A : i32 to index
        %get3A_291 = arith.index_cast %add3A_288 : i32 to index
        %get3A_292 = tpu.vector_load %arg5[%get3A_289, %get3A_290, %get3A_291] {strides = array<i32>} : memref<2x32x512xf32, #tpu.memory_space<vmem>>, vector<1x1x16xf32>,
        %get3A_293 = vector.shape_cast %get3A_292 : vector<1x1x16xf32> to vector<16xf32>
        %add3A_294 = arith.constant 80 : i32
        %add3A_295 = arith.addi %mul3A_148, %add3A_294 : i32
        %get3A_296 = arith.index_cast %rem3A_79 : i32 to index
        %get3A_297 = arith.index_cast %select_n3A : i32 to index
        %get3A_298 = arith.index_cast %add3A_295 : i32 to index
        %get3A_299 = tpu.vector_load %arg6[%get3A_296, %get3A_297, %get3A_298] {strides = array<i32>} : memref<2x32x512xf32, #tpu.memory_space<vmem>>, vector<1x1x16xf32>,
        %get3A_300 = vector.shape_cast %get3A_299 : vector<1x1x16xf32> to vector<16xf32>
        %ge3A_301 = arith.constant 5.000000e-01 : f32
        %ge3A_302 = vector.broadcast %ge3A_301 : f32 to vector<16xf32>
        %ge3A_303 = arith.cmpf oge, %get3A_293, %ge3A_302 : vector<16xf32>
        %jit3A_304 = arith.constant 1.000000e+00 : f32
        %jit3A_305 = arith.constant 0.000000e+00 : f32
        %broadcast_in_dim3A_306 = vector.broadcast %jit3A_304 : f32 to vector<16xf32>
        %broadcast_in_dim3A_307 = vector.broadcast %jit3A_305 : f32 to vector<16xf32>
        %select_n3A_308 = arith.select %ge3A_303, %broadcast_in_dim3A_306, %broadcast_in_dim3A_307 : vector<16xi1>, vector<16xf32>
        %add3A_309 = arith.addf %add3A_281, %select_n3A_308 : vector<16xf32>
        %add3A_310 = arith.addf %add3A_282, %get3A_300 : vector<16xf32>
        %jit3A_311 = arith.constant 0.000000e+00 : f32
        %broadcast_in_dim3A_312 = vector.broadcast %jit3A_311 : f32 to vector<16xf32>
        %select_n3A_313 = arith.select %ge3A_303, %get3A_300, %broadcast_in_dim3A_312 : vector<16xi1>, vector<16xf32>
        %add3A_314 = arith.addf %add3A_286, %select_n3A_313 : vector<16xf32>
        %add3A_315 = arith.constant 96 : i32
        %add3A_316 = arith.addi %mul3A_148, %add3A_315 : i32
        %get3A_317 = arith.index_cast %rem3A_79 : i32 to index
        %get3A_318 = arith.index_cast %select_n3A : i32 to index
        %get3A_319 = arith.index_cast %add3A_316 : i32 to index
        %get3A_320 = tpu.vector_load %arg5[%get3A_317, %get3A_318, %get3A_319] {strides = array<i32>} : memref<2x32x512xf32, #tpu.memory_space<vmem>>, vector<1x1x16xf32>,
        %get3A_321 = vector.shape_cast %get3A_320 : vector<1x1x16xf32> to vector<16xf32>
        %add3A_322 = arith.constant 96 : i32
        %add3A_323 = arith.addi %mul3A_148, %add3A_322 : i32
        %get3A_324 = arith.index_cast %rem3A_79 : i32 to index
        %get3A_325 = arith.index_cast %select_n3A : i32 to index
        %get3A_326 = arith.index_cast %add3A_323 : i32 to index
        %get3A_327 = tpu.vector_load %arg6[%get3A_324, %get3A_325, %get3A_326] {strides = array<i32>} : memref<2x32x512xf32, #tpu.memory_space<vmem>>, vector<1x1x16xf32>,
        %get3A_328 = vector.shape_cast %get3A_327 : vector<1x1x16xf32> to vector<16xf32>
        %ge3A_329 = arith.constant 5.000000e-01 : f32
        %ge3A_330 = vector.broadcast %ge3A_329 : f32 to vector<16xf32>
        %ge3A_331 = arith.cmpf oge, %get3A_321, %ge3A_330 : vector<16xf32>
        %jit3A_332 = arith.constant 1.000000e+00 : f32
        %jit3A_333 = arith.constant 0.000000e+00 : f32
        %broadcast_in_dim3A_334 = vector.broadcast %jit3A_332 : f32 to vector<16xf32>
        %broadcast_in_dim3A_335 = vector.broadcast %jit3A_333 : f32 to vector<16xf32>
        %select_n3A_336 = arith.select %ge3A_331, %broadcast_in_dim3A_334, %broadcast_in_dim3A_335 : vector<16xi1>, vector<16xf32>
        %add3A_337 = arith.addf %add3A_309, %select_n3A_336 : vector<16xf32>
        %add3A_338 = arith.addf %add3A_310, %get3A_328 : vector<16xf32>
        %jit3A_339 = arith.constant 0.000000e+00 : f32
        %broadcast_in_dim3A_340 = vector.broadcast %jit3A_339 : f32 to vector<16xf32>
        %select_n3A_341 = arith.select %ge3A_331, %get3A_328, %broadcast_in_dim3A_340 : vector<16xi1>, vector<16xf32>
        %add3A_342 = arith.addf %add3A_314, %select_n3A_341 : vector<16xf32>
        %add3A_343 = arith.constant 112 : i32
        %add3A_344 = arith.addi %mul3A_148, %add3A_343 : i32
        %get3A_345 = arith.index_cast %rem3A_79 : i32 to index
        %get3A_346 = arith.index_cast %select_n3A : i32 to index
        %get3A_347 = arith.index_cast %add3A_344 : i32 to index
        %get3A_348 = tpu.vector_load %arg5[%get3A_345, %get3A_346, %get3A_347] {strides = array<i32>} : memref<2x32x512xf32, #tpu.memory_space<vmem>>, vector<1x1x16xf32>,
        %get3A_349 = vector.shape_cast %get3A_348 : vector<1x1x16xf32> to vector<16xf32>
        %add3A_350 = arith.constant 112 : i32
        %add3A_351 = arith.addi %mul3A_148, %add3A_350 : i32
        %get3A_352 = arith.index_cast %rem3A_79 : i32 to index
        %get3A_353 = arith.index_cast %select_n3A : i32 to index
        %get3A_354 = arith.index_cast %add3A_351 : i32 to index
        %get3A_355 = tpu.vector_load %arg6[%get3A_352, %get3A_353, %get3A_354] {strides = array<i32>} : memref<2x32x512xf32, #tpu.memory_space<vmem>>, vector<1x1x16xf32>,
        %get3A_356 = vector.shape_cast %get3A_355 : vector<1x1x16xf32> to vector<16xf32>
        %ge3A_357 = arith.constant 5.000000e-01 : f32
        %ge3A_358 = vector.broadcast %ge3A_357 : f32 to vector<16xf32>
        %ge3A_359 = arith.cmpf oge, %get3A_349, %ge3A_358 : vector<16xf32>
        %jit3A_360 = arith.constant 1.000000e+00 : f32
        %jit3A_361 = arith.constant 0.000000e+00 : f32
        %broadcast_in_dim3A_362 = vector.broadcast %jit3A_360 : f32 to vector<16xf32>
        %broadcast_in_dim3A_363 = vector.broadcast %jit3A_361 : f32 to vector<16xf32>
        %select_n3A_364 = arith.select %ge3A_359, %broadcast_in_dim3A_362, %broadcast_in_dim3A_363 : vector<16xi1>, vector<16xf32>
        %add3A_365 = arith.addf %add3A_337, %select_n3A_364 : vector<16xf32>
        %add3A_366 = arith.addf %add3A_338, %get3A_356 : vector<16xf32>
        %jit3A_367 = arith.constant 0.000000e+00 : f32
        %broadcast_in_dim3A_368 = vector.broadcast %jit3A_367 : f32 to vector<16xf32>
        %select_n3A_369 = arith.select %ge3A_359, %get3A_356, %broadcast_in_dim3A_368 : vector<16xi1>, vector<16xf32>
        %add3A_370 = arith.addf %add3A_342, %select_n3A_369 : vector<16xf32>
        scf.yield %add3A_370, %add3A_365, %add3A_366 : vector<16xf32>, vector<16xf32>, vector<16xf32>
      }
      %scan3A_92 = arith.constant 128 : i32
      %add3A_93 = arith.constant 2 : i32
      %add3A_94 = arith.addi %scan3A_75, %add3A_93 : i32
      %lt3A = arith.constant 4 : i32
      %lt3A_95 = arith.cmpi slt, %add3A_94, %lt3A : i32
      %eq3A_96 = arith.constant 0 : i32
      %eq3A_97 = arith.cmpi eq, %rem3A_79, %eq3A_96 : i32
      %and3A = arith.andi %lt3A_95, %eq3A_97 : i1
      %convert_element_type3A_98 = arith.extui %and3A : i1 to i32
      %cond3A_99 = arith.constant 0 : i32
      %cond3A_100 = arith.cmpi ne, %convert_element_type3A_98, %cond3A_99 : i32
      scf.if %cond3A_100 {
        %mul3A_109 = arith.constant 32 : i32
        %mul3A_110 = arith.muli %add3A_94, %mul3A_109 : i32
        %add3A_111 = arith.addi %mul3A_2, %mul3A_110 : i32
        %dma_start3A_112 = arith.constant 0 : i32
        %dma_start3A_113 = arith.constant 0 : i32
        %dma_start3A_114 = arith.constant 0 : i32
        %dma_start3A_115 = tpu.memref_slice %arg5[%dma_start3A_112, %dma_start3A_113, %dma_start3A_114] : memref<2x32x512xf32, #tpu.memory_space<vmem>> -> memref<1x32x512xf32, #tpu.memory_space<vmem>>
        %dma_start3A_116 = tpu.memref_squeeze %dma_start3A_115 : memref<1x32x512xf32, #tpu.memory_space<vmem>> -> memref<32x512xf32, #tpu.memory_space<vmem>>
        %dma_start3A_117 = arith.constant 0 : i32
        %dma_start3A_118 = tpu.memref_slice %arg2[%add3A_111, %dma_start3A_117] : memref<8192x512xf32, #tpu.memory_space<hbm>> -> memref<32x512xf32, #tpu.memory_space<hbm>>
        %dma_start3A_119 = arith.constant 0 : i32
        %dma_start3A_120 = arith.constant 0 : i32
        %dma_start3A_121 = tpu.memref_slice %arg5[%dma_start3A_112, %dma_start3A_119, %dma_start3A_120] : memref<2x32x512xf32, #tpu.memory_space<vmem>> -> memref<1x32x512xf32, #tpu.memory_space<vmem>>
        %dma_start3A_122 = tpu.memref_squeeze %dma_start3A_121 : memref<1x32x512xf32, #tpu.memory_space<vmem>> -> memref<32x512xf32, #tpu.memory_space<vmem>>
        %dma_start3A_123 = arith.constant 0 : i32
        %dma_start3A_124 = tpu.memref_slice %arg2[%add3A_111, %dma_start3A_123] : memref<8192x512xf32, #tpu.memory_space<hbm>> -> memref<32x512xf32, #tpu.memory_space<hbm>>
        tpu.enqueue_dma source(%dma_start3A_124 : memref<32x512xf32, #tpu.memory_space<hbm>>) target(%dma_start3A_122 : memref<32x512xf32, #tpu.memory_space<vmem>>) target_semaphore(%arg8 : memref<!tpu.dma_semaphore, #tpu.memory_space<semaphore_mem>>)
        %dma_start3A_125 = arith.constant 0 : i32
        %dma_start3A_126 = arith.constant 0 : i32
        %dma_start3A_127 = arith.constant 0 : i32
        %dma_start3A_128 = tpu.memref_slice %arg6[%dma_start3A_125, %dma_start3A_126, %dma_start3A_127] : memref<2x32x512xf32, #tpu.memory_space<vmem>> -> memref<1x32x512xf32, #tpu.memory_space<vmem>>
        %dma_start3A_129 = tpu.memref_squeeze %dma_start3A_128 : memref<1x32x512xf32, #tpu.memory_space<vmem>> -> memref<32x512xf32, #tpu.memory_space<vmem>>
        %dma_start3A_130 = arith.constant 0 : i32
        %dma_start3A_131 = tpu.memref_slice %arg3[%add3A_111, %dma_start3A_130] : memref<8192x512xf32, #tpu.memory_space<hbm>> -> memref<32x512xf32, #tpu.memory_space<hbm>>
        %dma_start3A_132 = arith.constant 0 : i32
        %dma_start3A_133 = arith.constant 0 : i32
        %dma_start3A_134 = tpu.memref_slice %arg6[%dma_start3A_125, %dma_start3A_132, %dma_start3A_133] : memref<2x32x512xf32, #tpu.memory_space<vmem>> -> memref<1x32x512xf32, #tpu.memory_space<vmem>>
        %dma_start3A_135 = tpu.memref_squeeze %dma_start3A_134 : memref<1x32x512xf32, #tpu.memory_space<vmem>> -> memref<32x512xf32, #tpu.memory_space<vmem>>
        %dma_start3A_136 = arith.constant 0 : i32
        %dma_start3A_137 = tpu.memref_slice %arg3[%add3A_111, %dma_start3A_136] : memref<8192x512xf32, #tpu.memory_space<hbm>> -> memref<32x512xf32, #tpu.memory_space<hbm>>
        tpu.enqueue_dma source(%dma_start3A_137 : memref<32x512xf32, #tpu.memory_space<hbm>>) target(%dma_start3A_135 : memref<32x512xf32, #tpu.memory_space<vmem>>) target_semaphore(%arg9 : memref<!tpu.dma_semaphore, #tpu.memory_space<semaphore_mem>>)
      } else {
      }
      %lt3A_101 = arith.constant 4 : i32
      %lt3A_102 = arith.cmpi slt, %add3A_94, %lt3A_101 : i32
      %eq3A_103 = arith.constant 1 : i32
      %eq3A_104 = arith.cmpi eq, %rem3A_79, %eq3A_103 : i32
      %and3A_105 = arith.andi %lt3A_102, %eq3A_104 : i1
      %convert_element_type3A_106 = arith.extui %and3A_105 : i1 to i32
      %cond3A_107 = arith.constant 0 : i32
      %cond3A_108 = arith.cmpi ne, %convert_element_type3A_106, %cond3A_107 : i32
      scf.if %cond3A_108 {
        %mul3A_109 = arith.constant 32 : i32
        %mul3A_110 = arith.muli %add3A_94, %mul3A_109 : i32
        %add3A_111 = arith.addi %mul3A_2, %mul3A_110 : i32
        %dma_start3A_112 = arith.constant 1 : i32
        %dma_start3A_113 = arith.constant 0 : i32
        %dma_start3A_114 = arith.constant 0 : i32
        %dma_start3A_115 = tpu.memref_slice %arg5[%dma_start3A_112, %dma_start3A_113, %dma_start3A_114] : memref<2x32x512xf32, #tpu.memory_space<vmem>> -> memref<1x32x512xf32, #tpu.memory_space<vmem>>
        %dma_start3A_116 = tpu.memref_squeeze %dma_start3A_115 : memref<1x32x512xf32, #tpu.memory_space<vmem>> -> memref<32x512xf32, #tpu.memory_space<vmem>>
        %dma_start3A_117 = arith.constant 0 : i32
        %dma_start3A_118 = tpu.memref_slice %arg2[%add3A_111, %dma_start3A_117] : memref<8192x512xf32, #tpu.memory_space<hbm>> -> memref<32x512xf32, #tpu.memory_space<hbm>>
        %dma_start3A_119 = arith.constant 0 : i32
        %dma_start3A_120 = arith.constant 0 : i32
        %dma_start3A_121 = tpu.memref_slice %arg5[%dma_start3A_112, %dma_start3A_119, %dma_start3A_120] : memref<2x32x512xf32, #tpu.memory_space<vmem>> -> memref<1x32x512xf32, #tpu.memory_space<vmem>>
        %dma_start3A_122 = tpu.memref_squeeze %dma_start3A_121 : memref<1x32x512xf32, #tpu.memory_space<vmem>> -> memref<32x512xf32, #tpu.memory_space<vmem>>
        %dma_start3A_123 = arith.constant 0 : i32
        %dma_start3A_124 = tpu.memref_slice %arg2[%add3A_111, %dma_start3A_123] : memref<8192x512xf32, #tpu.memory_space<hbm>> -> memref<32x512xf32, #tpu.memory_space<hbm>>
        tpu.enqueue_dma source(%dma_start3A_124 : memref<32x512xf32, #tpu.memory_space<hbm>>) target(%dma_start3A_122 : memref<32x512xf32, #tpu.memory_space<vmem>>) target_semaphore(%arg10 : memref<!tpu.dma_semaphore, #tpu.memory_space<semaphore_mem>>)
        %dma_start3A_125 = arith.constant 1 : i32
        %dma_start3A_126 = arith.constant 0 : i32
        %dma_start3A_127 = arith.constant 0 : i32
        %dma_start3A_128 = tpu.memref_slice %arg6[%dma_start3A_125, %dma_start3A_126, %dma_start3A_127] : memref<2x32x512xf32, #tpu.memory_space<vmem>> -> memref<1x32x512xf32, #tpu.memory_space<vmem>>
        %dma_start3A_129 = tpu.memref_squeeze %dma_start3A_128 : memref<1x32x512xf32, #tpu.memory_space<vmem>> -> memref<32x512xf32, #tpu.memory_space<vmem>>
        %dma_start3A_130 = arith.constant 0 : i32
        %dma_start3A_131 = tpu.memref_slice %arg3[%add3A_111, %dma_start3A_130] : memref<8192x512xf32, #tpu.memory_space<hbm>> -> memref<32x512xf32, #tpu.memory_space<hbm>>
        %dma_start3A_132 = arith.constant 0 : i32
        %dma_start3A_133 = arith.constant 0 : i32
        %dma_start3A_134 = tpu.memref_slice %arg6[%dma_start3A_125, %dma_start3A_132, %dma_start3A_133] : memref<2x32x512xf32, #tpu.memory_space<vmem>> -> memref<1x32x512xf32, #tpu.memory_space<vmem>>
        %dma_start3A_135 = tpu.memref_squeeze %dma_start3A_134 : memref<1x32x512xf32, #tpu.memory_space<vmem>> -> memref<32x512xf32, #tpu.memory_space<vmem>>
        %dma_start3A_136 = arith.constant 0 : i32
        %dma_start3A_137 = tpu.memref_slice %arg3[%add3A_111, %dma_start3A_136] : memref<8192x512xf32, #tpu.memory_space<hbm>> -> memref<32x512xf32, #tpu.memory_space<hbm>>
        tpu.enqueue_dma source(%dma_start3A_137 : memref<32x512xf32, #tpu.memory_space<hbm>>) target(%dma_start3A_135 : memref<32x512xf32, #tpu.memory_space<vmem>>) target_semaphore(%arg11 : memref<!tpu.dma_semaphore, #tpu.memory_space<semaphore_mem>>)
      } else {
      }
      scf.yield %scan3A_91#0, %scan3A_91#1, %scan3A_91#2 : vector<16xf32>, vector<16xf32>, vector<16xf32>
    }
    %scan3A_63 = arith.constant 4 : i32
    %swap3A = arith.constant 0 : index
    %swap3A_64 = tpu.vector_load %arg7[%swap3A] {strides = array<i32>} : memref<48xf32, #tpu.memory_space<vmem>>, vector<16xf32>,
    %swap3A_65 = vector.shape_cast %swap3A_64 : vector<16xf32> to vector<16xf32>
    %swap3A_66 = vector.shape_cast %scan3A_62#0 : vector<16xf32> to vector<16xf32>
    tpu.vector_store %arg7[%swap3A], %swap3A_66 {strides = array<i32>} : memref<48xf32, #tpu.memory_space<vmem>>, vector<16xf32>,
    %swap3A_67 = arith.constant 16 : index
    %swap3A_68 = tpu.vector_load %arg7[%swap3A_67] {strides = array<i32>} : memref<48xf32, #tpu.memory_space<vmem>>, vector<16xf32>,
    %swap3A_69 = vector.shape_cast %swap3A_68 : vector<16xf32> to vector<16xf32>
    %swap3A_70 = vector.shape_cast %scan3A_62#1 : vector<16xf32> to vector<16xf32>
    tpu.vector_store %arg7[%swap3A_67], %swap3A_70 {strides = array<i32>} : memref<48xf32, #tpu.memory_space<vmem>>, vector<16xf32>,
    %swap3A_71 = arith.constant 32 : index
    %swap3A_72 = tpu.vector_load %arg7[%swap3A_71] {strides = array<i32>} : memref<48xf32, #tpu.memory_space<vmem>>, vector<16xf32>,
    %swap3A_73 = vector.shape_cast %swap3A_72 : vector<16xf32> to vector<16xf32>
    %swap3A_74 = vector.shape_cast %scan3A_62#2 : vector<16xf32> to vector<16xf32>
    tpu.vector_store %arg7[%swap3A_71], %swap3A_74 {strides = array<i32>} : memref<48xf32, #tpu.memory_space<vmem>>, vector<16xf32>,
    "tpu.region"() ({
      %run_scoped3A = tpu.sem_alloc : memref<!tpu.dma_semaphore, #tpu.memory_space<semaphore_mem>>
      %dma_start3A_75 = arith.constant 0 : i32
      %dma_start3A_76 = tpu.memref_slice %arg4[%add3A, %dma_start3A_75] : memref<32x48xf32, #tpu.memory_space<hbm>> -> memref<1x48xf32, #tpu.memory_space<hbm>>
      %dma_start3A_77 = tpu.memref_squeeze %dma_start3A_76 : memref<1x48xf32, #tpu.memory_space<hbm>> -> memref<48xf32, #tpu.memory_space<hbm>>
      %dma_start3A_78 = arith.constant 0 : i32
      %dma_start3A_79 = tpu.memref_slice %arg4[%add3A, %dma_start3A_78] : memref<32x48xf32, #tpu.memory_space<hbm>> -> memref<1x48xf32, #tpu.memory_space<hbm>>
      %dma_start3A_80 = tpu.memref_squeeze %dma_start3A_79 : memref<1x48xf32, #tpu.memory_space<hbm>> -> memref<48xf32, #tpu.memory_space<hbm>>
      tpu.enqueue_dma source(%arg7 : memref<48xf32, #tpu.memory_space<vmem>>) target(%dma_start3A_80 : memref<48xf32, #tpu.memory_space<hbm>>) target_semaphore(%run_scoped3A : memref<!tpu.dma_semaphore, #tpu.memory_space<semaphore_mem>>)
      %dma_wait3A = arith.constant 0 : i32
      %dma_wait3A_81 = tpu.memref_slice %arg4[%add3A, %dma_wait3A] : memref<32x48xf32, #tpu.memory_space<hbm>> -> memref<1x48xf32, #tpu.memory_space<hbm>>
      %dma_wait3A_82 = tpu.memref_squeeze %dma_wait3A_81 : memref<1x48xf32, #tpu.memory_space<hbm>> -> memref<48xf32, #tpu.memory_space<hbm>>
      %dma_wait3A_83 = arith.constant 0 : i32
      %dma_wait3A_84 = tpu.memref_slice %arg4[%add3A, %dma_wait3A_83] : memref<32x48xf32, #tpu.memory_space<hbm>> -> memref<1x48xf32, #tpu.memory_space<hbm>>
      %dma_wait3A_85 = tpu.memref_squeeze %dma_wait3A_84 : memref<1x48xf32, #tpu.memory_space<hbm>> -> memref<48xf32, #tpu.memory_space<hbm>>
      tpu.wait_dma2 semaphore(%run_scoped3A : memref<!tpu.dma_semaphore, #tpu.memory_space<semaphore_mem>>) src(%arg7 : memref<48xf32, #tpu.memory_space<vmem>>) dst(%dma_wait3A_85 : memref<48xf32, #tpu.memory_space<hbm>>)
      tpu.yield
    }) : () -> ()
    return
  }
}

module attributes {stable_mosaic.version = 14 : i64} {
  func.func @_tc_mega_kernel(%arg0: memref<8192x512xf32, #tpu.memory_space<hbm>>, %arg1: memref<8192x512xf32, #tpu.memory_space<hbm>>, %arg2: memref<3x8x128xf32, #tpu.memory_space<vmem>>, %arg3: memref<4x512x512xf32, #tpu.memory_space<vmem>>, %arg4: memref<4x512x512xf32, #tpu.memory_space<vmem>>, %arg5: memref<4x!tpu.dma_semaphore, #tpu.memory_space<semaphore_mem>>, %arg6: memref<4x!tpu.dma_semaphore, #tpu.memory_space<semaphore_mem>>) attributes {dimension_semantics = [], scalar_prefetch = 0 : i64, scratch_operands = 4 : i64, tpu.core_type = #tpu.core_type<tc>} {
    %dma_start3A = arith.constant 0 : i32
    %dma_start3A_0 = arith.constant 0 : i32
    %dma_start3A_1 = tpu.memref_slice %arg5[%dma_start3A_0] : memref<4x!tpu.dma_semaphore, #tpu.memory_space<semaphore_mem>> -> memref<1x!tpu.dma_semaphore, #tpu.memory_space<semaphore_mem>>
    %dma_start3A_2 = tpu.memref_squeeze %dma_start3A_1 : memref<1x!tpu.dma_semaphore, #tpu.memory_space<semaphore_mem>> -> memref<!tpu.dma_semaphore, #tpu.memory_space<semaphore_mem>>
    %dma_start3A_3 = arith.constant 0 : i32
    %dma_start3A_4 = arith.constant 0 : i32
    %dma_start3A_5 = tpu.memref_slice %arg3[%dma_start3A, %dma_start3A_3, %dma_start3A_4] : memref<4x512x512xf32, #tpu.memory_space<vmem>> -> memref<1x512x512xf32, #tpu.memory_space<vmem>>
    %dma_start3A_6 = tpu.memref_squeeze %dma_start3A_5 : memref<1x512x512xf32, #tpu.memory_space<vmem>> -> memref<512x512xf32, #tpu.memory_space<vmem>>
    %dma_start3A_7 = arith.constant 4096 : i32
    %dma_start3A_8 = arith.constant 0 : i32
    %dma_start3A_9 = tpu.memref_slice %arg0[%dma_start3A_7, %dma_start3A_8] : memref<8192x512xf32, #tpu.memory_space<hbm>> -> memref<512x512xf32, #tpu.memory_space<hbm>>
    tpu.enqueue_dma source(%dma_start3A_9 : memref<512x512xf32, #tpu.memory_space<hbm>>) target(%dma_start3A_6 : memref<512x512xf32, #tpu.memory_space<vmem>>) target_semaphore(%dma_start3A_2 : memref<!tpu.dma_semaphore, #tpu.memory_space<semaphore_mem>>)
    %dma_start3A_10 = arith.constant 0 : i32
    %dma_start3A_11 = arith.constant 0 : i32
    %dma_start3A_12 = tpu.memref_slice %arg6[%dma_start3A_11] : memref<4x!tpu.dma_semaphore, #tpu.memory_space<semaphore_mem>> -> memref<1x!tpu.dma_semaphore, #tpu.memory_space<semaphore_mem>>
    %dma_start3A_13 = tpu.memref_squeeze %dma_start3A_12 : memref<1x!tpu.dma_semaphore, #tpu.memory_space<semaphore_mem>> -> memref<!tpu.dma_semaphore, #tpu.memory_space<semaphore_mem>>
    %dma_start3A_14 = arith.constant 0 : i32
    %dma_start3A_15 = arith.constant 0 : i32
    %dma_start3A_16 = tpu.memref_slice %arg4[%dma_start3A_10, %dma_start3A_14, %dma_start3A_15] : memref<4x512x512xf32, #tpu.memory_space<vmem>> -> memref<1x512x512xf32, #tpu.memory_space<vmem>>
    %dma_start3A_17 = tpu.memref_squeeze %dma_start3A_16 : memref<1x512x512xf32, #tpu.memory_space<vmem>> -> memref<512x512xf32, #tpu.memory_space<vmem>>
    %dma_start3A_18 = arith.constant 4096 : i32
    %dma_start3A_19 = arith.constant 0 : i32
    %dma_start3A_20 = tpu.memref_slice %arg1[%dma_start3A_18, %dma_start3A_19] : memref<8192x512xf32, #tpu.memory_space<hbm>> -> memref<512x512xf32, #tpu.memory_space<hbm>>
    tpu.enqueue_dma source(%dma_start3A_20 : memref<512x512xf32, #tpu.memory_space<hbm>>) target(%dma_start3A_17 : memref<512x512xf32, #tpu.memory_space<vmem>>) target_semaphore(%dma_start3A_13 : memref<!tpu.dma_semaphore, #tpu.memory_space<semaphore_mem>>)
    %dma_start3A_21 = arith.constant 1 : i32
    %dma_start3A_22 = arith.constant 1 : i32
    %dma_start3A_23 = tpu.memref_slice %arg5[%dma_start3A_22] : memref<4x!tpu.dma_semaphore, #tpu.memory_space<semaphore_mem>> -> memref<1x!tpu.dma_semaphore, #tpu.memory_space<semaphore_mem>>
    %dma_start3A_24 = tpu.memref_squeeze %dma_start3A_23 : memref<1x!tpu.dma_semaphore, #tpu.memory_space<semaphore_mem>> -> memref<!tpu.dma_semaphore, #tpu.memory_space<semaphore_mem>>
    %dma_start3A_25 = arith.constant 0 : i32
    %dma_start3A_26 = arith.constant 0 : i32
    %dma_start3A_27 = tpu.memref_slice %arg3[%dma_start3A_21, %dma_start3A_25, %dma_start3A_26] : memref<4x512x512xf32, #tpu.memory_space<vmem>> -> memref<1x512x512xf32, #tpu.memory_space<vmem>>
    %dma_start3A_28 = tpu.memref_squeeze %dma_start3A_27 : memref<1x512x512xf32, #tpu.memory_space<vmem>> -> memref<512x512xf32, #tpu.memory_space<vmem>>
    %dma_start3A_29 = arith.constant 4608 : i32
    %dma_start3A_30 = arith.constant 0 : i32
    %dma_start3A_31 = tpu.memref_slice %arg0[%dma_start3A_29, %dma_start3A_30] : memref<8192x512xf32, #tpu.memory_space<hbm>> -> memref<512x512xf32, #tpu.memory_space<hbm>>
    tpu.enqueue_dma source(%dma_start3A_31 : memref<512x512xf32, #tpu.memory_space<hbm>>) target(%dma_start3A_28 : memref<512x512xf32, #tpu.memory_space<vmem>>) target_semaphore(%dma_start3A_24 : memref<!tpu.dma_semaphore, #tpu.memory_space<semaphore_mem>>)
    %dma_start3A_32 = arith.constant 1 : i32
    %dma_start3A_33 = arith.constant 1 : i32
    %dma_start3A_34 = tpu.memref_slice %arg6[%dma_start3A_33] : memref<4x!tpu.dma_semaphore, #tpu.memory_space<semaphore_mem>> -> memref<1x!tpu.dma_semaphore, #tpu.memory_space<semaphore_mem>>
    %dma_start3A_35 = tpu.memref_squeeze %dma_start3A_34 : memref<1x!tpu.dma_semaphore, #tpu.memory_space<semaphore_mem>> -> memref<!tpu.dma_semaphore, #tpu.memory_space<semaphore_mem>>
    %dma_start3A_36 = arith.constant 0 : i32
    %dma_start3A_37 = arith.constant 0 : i32
    %dma_start3A_38 = tpu.memref_slice %arg4[%dma_start3A_32, %dma_start3A_36, %dma_start3A_37] : memref<4x512x512xf32, #tpu.memory_space<vmem>> -> memref<1x512x512xf32, #tpu.memory_space<vmem>>
    %dma_start3A_39 = tpu.memref_squeeze %dma_start3A_38 : memref<1x512x512xf32, #tpu.memory_space<vmem>> -> memref<512x512xf32, #tpu.memory_space<vmem>>
    %dma_start3A_40 = arith.constant 4608 : i32
    %dma_start3A_41 = arith.constant 0 : i32
    %dma_start3A_42 = tpu.memref_slice %arg1[%dma_start3A_40, %dma_start3A_41] : memref<8192x512xf32, #tpu.memory_space<hbm>> -> memref<512x512xf32, #tpu.memory_space<hbm>>
    tpu.enqueue_dma source(%dma_start3A_42 : memref<512x512xf32, #tpu.memory_space<hbm>>) target(%dma_start3A_39 : memref<512x512xf32, #tpu.memory_space<vmem>>) target_semaphore(%dma_start3A_35 : memref<!tpu.dma_semaphore, #tpu.memory_space<semaphore_mem>>)
    %dma_start3A_43 = arith.constant 2 : i32
    %dma_start3A_44 = arith.constant 2 : i32
    %dma_start3A_45 = tpu.memref_slice %arg5[%dma_start3A_44] : memref<4x!tpu.dma_semaphore, #tpu.memory_space<semaphore_mem>> -> memref<1x!tpu.dma_semaphore, #tpu.memory_space<semaphore_mem>>
    %dma_start3A_46 = tpu.memref_squeeze %dma_start3A_45 : memref<1x!tpu.dma_semaphore, #tpu.memory_space<semaphore_mem>> -> memref<!tpu.dma_semaphore, #tpu.memory_space<semaphore_mem>>
    %dma_start3A_47 = arith.constant 0 : i32
    %dma_start3A_48 = arith.constant 0 : i32
    %dma_start3A_49 = tpu.memref_slice %arg3[%dma_start3A_43, %dma_start3A_47, %dma_start3A_48] : memref<4x512x512xf32, #tpu.memory_space<vmem>> -> memref<1x512x512xf32, #tpu.memory_space<vmem>>
    %dma_start3A_50 = tpu.memref_squeeze %dma_start3A_49 : memref<1x512x512xf32, #tpu.memory_space<vmem>> -> memref<512x512xf32, #tpu.memory_space<vmem>>
    %dma_start3A_51 = arith.constant 5120 : i32
    %dma_start3A_52 = arith.constant 0 : i32
    %dma_start3A_53 = tpu.memref_slice %arg0[%dma_start3A_51, %dma_start3A_52] : memref<8192x512xf32, #tpu.memory_space<hbm>> -> memref<512x512xf32, #tpu.memory_space<hbm>>
    tpu.enqueue_dma source(%dma_start3A_53 : memref<512x512xf32, #tpu.memory_space<hbm>>) target(%dma_start3A_50 : memref<512x512xf32, #tpu.memory_space<vmem>>) target_semaphore(%dma_start3A_46 : memref<!tpu.dma_semaphore, #tpu.memory_space<semaphore_mem>>)
    %dma_start3A_54 = arith.constant 2 : i32
    %dma_start3A_55 = arith.constant 2 : i32
    %dma_start3A_56 = tpu.memref_slice %arg6[%dma_start3A_55] : memref<4x!tpu.dma_semaphore, #tpu.memory_space<semaphore_mem>> -> memref<1x!tpu.dma_semaphore, #tpu.memory_space<semaphore_mem>>
    %dma_start3A_57 = tpu.memref_squeeze %dma_start3A_56 : memref<1x!tpu.dma_semaphore, #tpu.memory_space<semaphore_mem>> -> memref<!tpu.dma_semaphore, #tpu.memory_space<semaphore_mem>>
    %dma_start3A_58 = arith.constant 0 : i32
    %dma_start3A_59 = arith.constant 0 : i32
    %dma_start3A_60 = tpu.memref_slice %arg4[%dma_start3A_54, %dma_start3A_58, %dma_start3A_59] : memref<4x512x512xf32, #tpu.memory_space<vmem>> -> memref<1x512x512xf32, #tpu.memory_space<vmem>>
    %dma_start3A_61 = tpu.memref_squeeze %dma_start3A_60 : memref<1x512x512xf32, #tpu.memory_space<vmem>> -> memref<512x512xf32, #tpu.memory_space<vmem>>
    %dma_start3A_62 = arith.constant 5120 : i32
    %dma_start3A_63 = arith.constant 0 : i32
    %dma_start3A_64 = tpu.memref_slice %arg1[%dma_start3A_62, %dma_start3A_63] : memref<8192x512xf32, #tpu.memory_space<hbm>> -> memref<512x512xf32, #tpu.memory_space<hbm>>
    tpu.enqueue_dma source(%dma_start3A_64 : memref<512x512xf32, #tpu.memory_space<hbm>>) target(%dma_start3A_61 : memref<512x512xf32, #tpu.memory_space<vmem>>) target_semaphore(%dma_start3A_57 : memref<!tpu.dma_semaphore, #tpu.memory_space<semaphore_mem>>)
    %dma_start3A_65 = arith.constant 3 : i32
    %dma_start3A_66 = arith.constant 3 : i32
    %dma_start3A_67 = tpu.memref_slice %arg5[%dma_start3A_66] : memref<4x!tpu.dma_semaphore, #tpu.memory_space<semaphore_mem>> -> memref<1x!tpu.dma_semaphore, #tpu.memory_space<semaphore_mem>>
    %dma_start3A_68 = tpu.memref_squeeze %dma_start3A_67 : memref<1x!tpu.dma_semaphore, #tpu.memory_space<semaphore_mem>> -> memref<!tpu.dma_semaphore, #tpu.memory_space<semaphore_mem>>
    %dma_start3A_69 = arith.constant 0 : i32
    %dma_start3A_70 = arith.constant 0 : i32
    %dma_start3A_71 = tpu.memref_slice %arg3[%dma_start3A_65, %dma_start3A_69, %dma_start3A_70] : memref<4x512x512xf32, #tpu.memory_space<vmem>> -> memref<1x512x512xf32, #tpu.memory_space<vmem>>
    %dma_start3A_72 = tpu.memref_squeeze %dma_start3A_71 : memref<1x512x512xf32, #tpu.memory_space<vmem>> -> memref<512x512xf32, #tpu.memory_space<vmem>>
    %dma_start3A_73 = arith.constant 5632 : i32
    %dma_start3A_74 = arith.constant 0 : i32
    %dma_start3A_75 = tpu.memref_slice %arg0[%dma_start3A_73, %dma_start3A_74] : memref<8192x512xf32, #tpu.memory_space<hbm>> -> memref<512x512xf32, #tpu.memory_space<hbm>>
    tpu.enqueue_dma source(%dma_start3A_75 : memref<512x512xf32, #tpu.memory_space<hbm>>) target(%dma_start3A_72 : memref<512x512xf32, #tpu.memory_space<vmem>>) target_semaphore(%dma_start3A_68 : memref<!tpu.dma_semaphore, #tpu.memory_space<semaphore_mem>>)
    %dma_start3A_76 = arith.constant 3 : i32
    %dma_start3A_77 = arith.constant 3 : i32
    %dma_start3A_78 = tpu.memref_slice %arg6[%dma_start3A_77] : memref<4x!tpu.dma_semaphore, #tpu.memory_space<semaphore_mem>> -> memref<1x!tpu.dma_semaphore, #tpu.memory_space<semaphore_mem>>
    %dma_start3A_79 = tpu.memref_squeeze %dma_start3A_78 : memref<1x!tpu.dma_semaphore, #tpu.memory_space<semaphore_mem>> -> memref<!tpu.dma_semaphore, #tpu.memory_space<semaphore_mem>>
    %dma_start3A_80 = arith.constant 0 : i32
    %dma_start3A_81 = arith.constant 0 : i32
    %dma_start3A_82 = tpu.memref_slice %arg4[%dma_start3A_76, %dma_start3A_80, %dma_start3A_81] : memref<4x512x512xf32, #tpu.memory_space<vmem>> -> memref<1x512x512xf32, #tpu.memory_space<vmem>>
    %dma_start3A_83 = tpu.memref_squeeze %dma_start3A_82 : memref<1x512x512xf32, #tpu.memory_space<vmem>> -> memref<512x512xf32, #tpu.memory_space<vmem>>
    %dma_start3A_84 = arith.constant 5632 : i32
    %dma_start3A_85 = arith.constant 0 : i32
    %dma_start3A_86 = tpu.memref_slice %arg1[%dma_start3A_84, %dma_start3A_85] : memref<8192x512xf32, #tpu.memory_space<hbm>> -> memref<512x512xf32, #tpu.memory_space<hbm>>
    tpu.enqueue_dma source(%dma_start3A_86 : memref<512x512xf32, #tpu.memory_space<hbm>>) target(%dma_start3A_83 : memref<512x512xf32, #tpu.memory_space<vmem>>) target_semaphore(%dma_start3A_79 : memref<!tpu.dma_semaphore, #tpu.memory_space<semaphore_mem>>)
    %broadcast_in_dim3A = arith.constant 0.000000e+00 : f32
    %broadcast_in_dim3A_87 = vector.broadcast %broadcast_in_dim3A : f32 to vector<8x128xf32>
    %broadcast_in_dim3A_88 = arith.constant 0.000000e+00 : f32
    %broadcast_in_dim3A_89 = vector.broadcast %broadcast_in_dim3A_88 : f32 to vector<8x128xf32>
    %broadcast_in_dim3A_90 = arith.constant 0.000000e+00 : f32
    %broadcast_in_dim3A_91 = vector.broadcast %broadcast_in_dim3A_90 : f32 to vector<8x128xf32>
    %dma_wait3A = arith.constant 0 : i32
    %dma_wait3A_92 = arith.constant 0 : i32
    %dma_wait3A_93 = tpu.memref_slice %arg5[%dma_wait3A_92] : memref<4x!tpu.dma_semaphore, #tpu.memory_space<semaphore_mem>> -> memref<1x!tpu.dma_semaphore, #tpu.memory_space<semaphore_mem>>
    %dma_wait3A_94 = tpu.memref_squeeze %dma_wait3A_93 : memref<1x!tpu.dma_semaphore, #tpu.memory_space<semaphore_mem>> -> memref<!tpu.dma_semaphore, #tpu.memory_space<semaphore_mem>>
    %dma_wait3A_95 = arith.constant 0 : i32
    %dma_wait3A_96 = arith.constant 0 : i32
    %dma_wait3A_97 = tpu.memref_slice %arg3[%dma_wait3A, %dma_wait3A_95, %dma_wait3A_96] : memref<4x512x512xf32, #tpu.memory_space<vmem>> -> memref<1x512x512xf32, #tpu.memory_space<vmem>>
    %dma_wait3A_98 = tpu.memref_squeeze %dma_wait3A_97 : memref<1x512x512xf32, #tpu.memory_space<vmem>> -> memref<512x512xf32, #tpu.memory_space<vmem>>
    %dma_wait3A_99 = arith.constant 0 : i32
    %dma_wait3A_100 = arith.constant 0 : i32
    %dma_wait3A_101 = tpu.memref_slice %arg0[%dma_wait3A_99, %dma_wait3A_100] : memref<8192x512xf32, #tpu.memory_space<hbm>> -> memref<512x512xf32, #tpu.memory_space<hbm>>
    tpu.wait_dma2 semaphore(%dma_wait3A_94 : memref<!tpu.dma_semaphore, #tpu.memory_space<semaphore_mem>>) src(%dma_wait3A_101 : memref<512x512xf32, #tpu.memory_space<hbm>>) dst(%dma_wait3A_98 : memref<512x512xf32, #tpu.memory_space<vmem>>)
    %dma_wait3A_102 = arith.constant 0 : i32
    %dma_wait3A_103 = arith.constant 0 : i32
    %dma_wait3A_104 = tpu.memref_slice %arg6[%dma_wait3A_103] : memref<4x!tpu.dma_semaphore, #tpu.memory_space<semaphore_mem>> -> memref<1x!tpu.dma_semaphore, #tpu.memory_space<semaphore_mem>>
    %dma_wait3A_105 = tpu.memref_squeeze %dma_wait3A_104 : memref<1x!tpu.dma_semaphore, #tpu.memory_space<semaphore_mem>> -> memref<!tpu.dma_semaphore, #tpu.memory_space<semaphore_mem>>
    %dma_wait3A_106 = arith.constant 0 : i32
    %dma_wait3A_107 = arith.constant 0 : i32
    %dma_wait3A_108 = tpu.memref_slice %arg4[%dma_wait3A_102, %dma_wait3A_106, %dma_wait3A_107] : memref<4x512x512xf32, #tpu.memory_space<vmem>> -> memref<1x512x512xf32, #tpu.memory_space<vmem>>
    %dma_wait3A_109 = tpu.memref_squeeze %dma_wait3A_108 : memref<1x512x512xf32, #tpu.memory_space<vmem>> -> memref<512x512xf32, #tpu.memory_space<vmem>>
    %dma_wait3A_110 = arith.constant 0 : i32
    %dma_wait3A_111 = arith.constant 0 : i32
    %dma_wait3A_112 = tpu.memref_slice %arg1[%dma_wait3A_110, %dma_wait3A_111] : memref<8192x512xf32, #tpu.memory_space<hbm>> -> memref<512x512xf32, #tpu.memory_space<hbm>>
    tpu.wait_dma2 semaphore(%dma_wait3A_105 : memref<!tpu.dma_semaphore, #tpu.memory_space<semaphore_mem>>) src(%dma_wait3A_112 : memref<512x512xf32, #tpu.memory_space<hbm>>) dst(%dma_wait3A_109 : memref<512x512xf32, #tpu.memory_space<vmem>>)
    %get3A = arith.constant 0 : index
    %get3A_113 = arith.constant 0 : index
    %get3A_114 = arith.constant 0 : index
    %get3A_115 = vector.load %arg3[%get3A, %get3A_113, %get3A_114] : memref<4x512x512xf32, #tpu.memory_space<vmem>>, vector<1x512x512xf32>
    %get3A_116 = vector.shape_cast %get3A_115 : vector<1x512x512xf32> to vector<512x512xf32>
    %get3A_117 = arith.constant 0 : index
    %get3A_118 = arith.constant 0 : index
    %get3A_119 = arith.constant 0 : index
    %get3A_120 = vector.load %arg4[%get3A_117, %get3A_118, %get3A_119] : memref<4x512x512xf32, #tpu.memory_space<vmem>>, vector<1x512x512xf32>
    %get3A_121 = vector.shape_cast %get3A_120 : vector<1x512x512xf32> to vector<512x512xf32>
    %ge3A = arith.constant 5.000000e-01 : f32
    %ge3A_122 = vector.broadcast %ge3A : f32 to vector<512x512xf32>
    %ge3A_123 = arith.cmpf oge, %get3A_116, %ge3A_122 : vector<512x512xf32>
    %jit3A = arith.constant 1.000000e+00 : f32
    %jit3A_124 = arith.constant 0.000000e+00 : f32
    %broadcast_in_dim3A_125 = vector.broadcast %jit3A : f32 to vector<512x512xf32>
    %broadcast_in_dim3A_126 = vector.broadcast %jit3A_124 : f32 to vector<512x512xf32>
    %select_n3A = arith.select %ge3A_123, %broadcast_in_dim3A_125, %broadcast_in_dim3A_126 : vector<512x512xi1>, vector<512x512xf32>
    %reshape3A = vector.shape_cast %select_n3A : vector<512x512xf32> to vector<64x8x4x128xf32>
    %reduce_sum3A = arith.constant dense<0.000000e+00> : vector<8x128xf32>
    %reduce_sum3A_127 = vector.multi_reduction <add>, %reshape3A, %reduce_sum3A [0, 2] : vector<64x8x4x128xf32> to vector<8x128xf32>
    %add3A = arith.addf %broadcast_in_dim3A_89, %reduce_sum3A_127 : vector<8x128xf32>
    %reshape3A_128 = vector.shape_cast %get3A_121 : vector<512x512xf32> to vector<64x8x4x128xf32>
    %reduce_sum3A_129 = arith.constant dense<0.000000e+00> : vector<8x128xf32>
    %reduce_sum3A_130 = vector.multi_reduction <add>, %reshape3A_128, %reduce_sum3A_129 [0, 2] : vector<64x8x4x128xf32> to vector<8x128xf32>
    %add3A_131 = arith.addf %broadcast_in_dim3A_91, %reduce_sum3A_130 : vector<8x128xf32>
    %jit3A_132 = arith.constant 0.000000e+00 : f32
    %broadcast_in_dim3A_133 = vector.broadcast %jit3A_132 : f32 to vector<512x512xf32>
    %select_n3A_134 = arith.select %ge3A_123, %get3A_121, %broadcast_in_dim3A_133 : vector<512x512xi1>, vector<512x512xf32>
    %reshape3A_135 = vector.shape_cast %select_n3A_134 : vector<512x512xf32> to vector<64x8x4x128xf32>
    %reduce_sum3A_136 = arith.constant dense<0.000000e+00> : vector<8x128xf32>
    %reduce_sum3A_137 = vector.multi_reduction <add>, %reshape3A_135, %reduce_sum3A_136 [0, 2] : vector<64x8x4x128xf32> to vector<8x128xf32>
    %add3A_138 = arith.addf %broadcast_in_dim3A_87, %reduce_sum3A_137 : vector<8x128xf32>
    %dma_start3A_139 = arith.constant 0 : i32
    %dma_start3A_140 = arith.constant 0 : i32
    %dma_start3A_141 = tpu.memref_slice %arg5[%dma_start3A_140] : memref<4x!tpu.dma_semaphore, #tpu.memory_space<semaphore_mem>> -> memref<1x!tpu.dma_semaphore, #tpu.memory_space<semaphore_mem>>
    %dma_start3A_142 = tpu.memref_squeeze %dma_start3A_141 : memref<1x!tpu.dma_semaphore, #tpu.memory_space<semaphore_mem>> -> memref<!tpu.dma_semaphore, #tpu.memory_space<semaphore_mem>>
    %dma_start3A_143 = arith.constant 0 : i32
    %dma_start3A_144 = arith.constant 0 : i32
    %dma_start3A_145 = tpu.memref_slice %arg3[%dma_start3A_139, %dma_start3A_143, %dma_start3A_144] : memref<4x512x512xf32, #tpu.memory_space<vmem>> -> memref<1x512x512xf32, #tpu.memory_space<vmem>>
    %dma_start3A_146 = tpu.memref_squeeze %dma_start3A_145 : memref<1x512x512xf32, #tpu.memory_space<vmem>> -> memref<512x512xf32, #tpu.memory_space<vmem>>
    %dma_start3A_147 = arith.constant 6144 : i32
    %dma_start3A_148 = arith.constant 0 : i32
    %dma_start3A_149 = tpu.memref_slice %arg0[%dma_start3A_147, %dma_start3A_148] : memref<8192x512xf32, #tpu.memory_space<hbm>> -> memref<512x512xf32, #tpu.memory_space<hbm>>
    tpu.enqueue_dma source(%dma_start3A_149 : memref<512x512xf32, #tpu.memory_space<hbm>>) target(%dma_start3A_146 : memref<512x512xf32, #tpu.memory_space<vmem>>) target_semaphore(%dma_start3A_142 : memref<!tpu.dma_semaphore, #tpu.memory_space<semaphore_mem>>)
    %dma_start3A_150 = arith.constant 0 : i32
    %dma_start3A_151 = arith.constant 0 : i32
    %dma_start3A_152 = tpu.memref_slice %arg6[%dma_start3A_151] : memref<4x!tpu.dma_semaphore, #tpu.memory_space<semaphore_mem>> -> memref<1x!tpu.dma_semaphore, #tpu.memory_space<semaphore_mem>>
    %dma_start3A_153 = tpu.memref_squeeze %dma_start3A_152 : memref<1x!tpu.dma_semaphore, #tpu.memory_space<semaphore_mem>> -> memref<!tpu.dma_semaphore, #tpu.memory_space<semaphore_mem>>
    %dma_start3A_154 = arith.constant 0 : i32
    %dma_start3A_155 = arith.constant 0 : i32
    %dma_start3A_156 = tpu.memref_slice %arg4[%dma_start3A_150, %dma_start3A_154, %dma_start3A_155] : memref<4x512x512xf32, #tpu.memory_space<vmem>> -> memref<1x512x512xf32, #tpu.memory_space<vmem>>
    %dma_start3A_157 = tpu.memref_squeeze %dma_start3A_156 : memref<1x512x512xf32, #tpu.memory_space<vmem>> -> memref<512x512xf32, #tpu.memory_space<vmem>>
    %dma_start3A_158 = arith.constant 6144 : i32
    %dma_start3A_159 = arith.constant 0 : i32
    %dma_start3A_160 = tpu.memref_slice %arg1[%dma_start3A_158, %dma_start3A_159] : memref<8192x512xf32, #tpu.memory_space<hbm>> -> memref<512x512xf32, #tpu.memory_space<hbm>>
    tpu.enqueue_dma source(%dma_start3A_160 : memref<512x512xf32, #tpu.memory_space<hbm>>) target(%dma_start3A_157 : memref<512x512xf32, #tpu.memory_space<vmem>>) target_semaphore(%dma_start3A_153 : memref<!tpu.dma_semaphore, #tpu.memory_space<semaphore_mem>>)
    %dma_wait3A_161 = arith.constant 1 : i32
    %dma_wait3A_162 = arith.constant 1 : i32
    %dma_wait3A_163 = tpu.memref_slice %arg5[%dma_wait3A_162] : memref<4x!tpu.dma_semaphore, #tpu.memory_space<semaphore_mem>> -> memref<1x!tpu.dma_semaphore, #tpu.memory_space<semaphore_mem>>
    %dma_wait3A_164 = tpu.memref_squeeze %dma_wait3A_163 : memref<1x!tpu.dma_semaphore, #tpu.memory_space<semaphore_mem>> -> memref<!tpu.dma_semaphore, #tpu.memory_space<semaphore_mem>>
    %dma_wait3A_165 = arith.constant 0 : i32
    %dma_wait3A_166 = arith.constant 0 : i32
    %dma_wait3A_167 = tpu.memref_slice %arg3[%dma_wait3A_161, %dma_wait3A_165, %dma_wait3A_166] : memref<4x512x512xf32, #tpu.memory_space<vmem>> -> memref<1x512x512xf32, #tpu.memory_space<vmem>>
    %dma_wait3A_168 = tpu.memref_squeeze %dma_wait3A_167 : memref<1x512x512xf32, #tpu.memory_space<vmem>> -> memref<512x512xf32, #tpu.memory_space<vmem>>
    %dma_wait3A_169 = arith.constant 0 : i32
    %dma_wait3A_170 = arith.constant 0 : i32
    %dma_wait3A_171 = tpu.memref_slice %arg0[%dma_wait3A_169, %dma_wait3A_170] : memref<8192x512xf32, #tpu.memory_space<hbm>> -> memref<512x512xf32, #tpu.memory_space<hbm>>
    tpu.wait_dma2 semaphore(%dma_wait3A_164 : memref<!tpu.dma_semaphore, #tpu.memory_space<semaphore_mem>>) src(%dma_wait3A_171 : memref<512x512xf32, #tpu.memory_space<hbm>>) dst(%dma_wait3A_168 : memref<512x512xf32, #tpu.memory_space<vmem>>)
    %dma_wait3A_172 = arith.constant 1 : i32
    %dma_wait3A_173 = arith.constant 1 : i32
    %dma_wait3A_174 = tpu.memref_slice %arg6[%dma_wait3A_173] : memref<4x!tpu.dma_semaphore, #tpu.memory_space<semaphore_mem>> -> memref<1x!tpu.dma_semaphore, #tpu.memory_space<semaphore_mem>>
    %dma_wait3A_175 = tpu.memref_squeeze %dma_wait3A_174 : memref<1x!tpu.dma_semaphore, #tpu.memory_space<semaphore_mem>> -> memref<!tpu.dma_semaphore, #tpu.memory_space<semaphore_mem>>
    %dma_wait3A_176 = arith.constant 0 : i32
    %dma_wait3A_177 = arith.constant 0 : i32
    %dma_wait3A_178 = tpu.memref_slice %arg4[%dma_wait3A_172, %dma_wait3A_176, %dma_wait3A_177] : memref<4x512x512xf32, #tpu.memory_space<vmem>> -> memref<1x512x512xf32, #tpu.memory_space<vmem>>
    %dma_wait3A_179 = tpu.memref_squeeze %dma_wait3A_178 : memref<1x512x512xf32, #tpu.memory_space<vmem>> -> memref<512x512xf32, #tpu.memory_space<vmem>>
    %dma_wait3A_180 = arith.constant 0 : i32
    %dma_wait3A_181 = arith.constant 0 : i32
    %dma_wait3A_182 = tpu.memref_slice %arg1[%dma_wait3A_180, %dma_wait3A_181] : memref<8192x512xf32, #tpu.memory_space<hbm>> -> memref<512x512xf32, #tpu.memory_space<hbm>>
    tpu.wait_dma2 semaphore(%dma_wait3A_175 : memref<!tpu.dma_semaphore, #tpu.memory_space<semaphore_mem>>) src(%dma_wait3A_182 : memref<512x512xf32, #tpu.memory_space<hbm>>) dst(%dma_wait3A_179 : memref<512x512xf32, #tpu.memory_space<vmem>>)
    %get3A_183 = arith.constant 1 : index
    %get3A_184 = arith.constant 0 : index
    %get3A_185 = arith.constant 0 : index
    %get3A_186 = vector.load %arg3[%get3A_183, %get3A_184, %get3A_185] : memref<4x512x512xf32, #tpu.memory_space<vmem>>, vector<1x512x512xf32>
    %get3A_187 = vector.shape_cast %get3A_186 : vector<1x512x512xf32> to vector<512x512xf32>
    %get3A_188 = arith.constant 1 : index
    %get3A_189 = arith.constant 0 : index
    %get3A_190 = arith.constant 0 : index
    %get3A_191 = vector.load %arg4[%get3A_188, %get3A_189, %get3A_190] : memref<4x512x512xf32, #tpu.memory_space<vmem>>, vector<1x512x512xf32>
    %get3A_192 = vector.shape_cast %get3A_191 : vector<1x512x512xf32> to vector<512x512xf32>
    %ge3A_193 = arith.constant 5.000000e-01 : f32
    %ge3A_194 = vector.broadcast %ge3A_193 : f32 to vector<512x512xf32>
    %ge3A_195 = arith.cmpf oge, %get3A_187, %ge3A_194 : vector<512x512xf32>
    %jit3A_196 = arith.constant 1.000000e+00 : f32
    %jit3A_197 = arith.constant 0.000000e+00 : f32
    %broadcast_in_dim3A_198 = vector.broadcast %jit3A_196 : f32 to vector<512x512xf32>
    %broadcast_in_dim3A_199 = vector.broadcast %jit3A_197 : f32 to vector<512x512xf32>
    %select_n3A_200 = arith.select %ge3A_195, %broadcast_in_dim3A_198, %broadcast_in_dim3A_199 : vector<512x512xi1>, vector<512x512xf32>
    %reshape3A_201 = vector.shape_cast %select_n3A_200 : vector<512x512xf32> to vector<64x8x4x128xf32>
    %reduce_sum3A_202 = arith.constant dense<0.000000e+00> : vector<8x128xf32>
    %reduce_sum3A_203 = vector.multi_reduction <add>, %reshape3A_201, %reduce_sum3A_202 [0, 2] : vector<64x8x4x128xf32> to vector<8x128xf32>
    %add3A_204 = arith.addf %add3A, %reduce_sum3A_203 : vector<8x128xf32>
    %reshape3A_205 = vector.shape_cast %get3A_192 : vector<512x512xf32> to vector<64x8x4x128xf32>
    %reduce_sum3A_206 = arith.constant dense<0.000000e+00> : vector<8x128xf32>
    %reduce_sum3A_207 = vector.multi_reduction <add>, %reshape3A_205, %reduce_sum3A_206 [0, 2] : vector<64x8x4x128xf32> to vector<8x128xf32>
    %add3A_208 = arith.addf %add3A_131, %reduce_sum3A_207 : vector<8x128xf32>
    %jit3A_209 = arith.constant 0.000000e+00 : f32
    %broadcast_in_dim3A_210 = vector.broadcast %jit3A_209 : f32 to vector<512x512xf32>
    %select_n3A_211 = arith.select %ge3A_195, %get3A_192, %broadcast_in_dim3A_210 : vector<512x512xi1>, vector<512x512xf32>
    %reshape3A_212 = vector.shape_cast %select_n3A_211 : vector<512x512xf32> to vector<64x8x4x128xf32>
    %reduce_sum3A_213 = arith.constant dense<0.000000e+00> : vector<8x128xf32>
    %reduce_sum3A_214 = vector.multi_reduction <add>, %reshape3A_212, %reduce_sum3A_213 [0, 2] : vector<64x8x4x128xf32> to vector<8x128xf32>
    %add3A_215 = arith.addf %add3A_138, %reduce_sum3A_214 : vector<8x128xf32>
    %dma_start3A_216 = arith.constant 1 : i32
    %dma_start3A_217 = arith.constant 1 : i32
    %dma_start3A_218 = tpu.memref_slice %arg5[%dma_start3A_217] : memref<4x!tpu.dma_semaphore, #tpu.memory_space<semaphore_mem>> -> memref<1x!tpu.dma_semaphore, #tpu.memory_space<semaphore_mem>>
    %dma_start3A_219 = tpu.memref_squeeze %dma_start3A_218 : memref<1x!tpu.dma_semaphore, #tpu.memory_space<semaphore_mem>> -> memref<!tpu.dma_semaphore, #tpu.memory_space<semaphore_mem>>
    %dma_start3A_220 = arith.constant 0 : i32
    %dma_start3A_221 = arith.constant 0 : i32
    %dma_start3A_222 = tpu.memref_slice %arg3[%dma_start3A_216, %dma_start3A_220, %dma_start3A_221] : memref<4x512x512xf32, #tpu.memory_space<vmem>> -> memref<1x512x512xf32, #tpu.memory_space<vmem>>
    %dma_start3A_223 = tpu.memref_squeeze %dma_start3A_222 : memref<1x512x512xf32, #tpu.memory_space<vmem>> -> memref<512x512xf32, #tpu.memory_space<vmem>>
    %dma_start3A_224 = arith.constant 6656 : i32
    %dma_start3A_225 = arith.constant 0 : i32
    %dma_start3A_226 = tpu.memref_slice %arg0[%dma_start3A_224, %dma_start3A_225] : memref<8192x512xf32, #tpu.memory_space<hbm>> -> memref<512x512xf32, #tpu.memory_space<hbm>>
    tpu.enqueue_dma source(%dma_start3A_226 : memref<512x512xf32, #tpu.memory_space<hbm>>) target(%dma_start3A_223 : memref<512x512xf32, #tpu.memory_space<vmem>>) target_semaphore(%dma_start3A_219 : memref<!tpu.dma_semaphore, #tpu.memory_space<semaphore_mem>>)
    %dma_start3A_227 = arith.constant 1 : i32
    %dma_start3A_228 = arith.constant 1 : i32
    %dma_start3A_229 = tpu.memref_slice %arg6[%dma_start3A_228] : memref<4x!tpu.dma_semaphore, #tpu.memory_space<semaphore_mem>> -> memref<1x!tpu.dma_semaphore, #tpu.memory_space<semaphore_mem>>
    %dma_start3A_230 = tpu.memref_squeeze %dma_start3A_229 : memref<1x!tpu.dma_semaphore, #tpu.memory_space<semaphore_mem>> -> memref<!tpu.dma_semaphore, #tpu.memory_space<semaphore_mem>>
    %dma_start3A_231 = arith.constant 0 : i32
    %dma_start3A_232 = arith.constant 0 : i32
    %dma_start3A_233 = tpu.memref_slice %arg4[%dma_start3A_227, %dma_start3A_231, %dma_start3A_232] : memref<4x512x512xf32, #tpu.memory_space<vmem>> -> memref<1x512x512xf32, #tpu.memory_space<vmem>>
    %dma_start3A_234 = tpu.memref_squeeze %dma_start3A_233 : memref<1x512x512xf32, #tpu.memory_space<vmem>> -> memref<512x512xf32, #tpu.memory_space<vmem>>
    %dma_start3A_235 = arith.constant 6656 : i32
    %dma_start3A_236 = arith.constant 0 : i32
    %dma_start3A_237 = tpu.memref_slice %arg1[%dma_start3A_235, %dma_start3A_236] : memref<8192x512xf32, #tpu.memory_space<hbm>> -> memref<512x512xf32, #tpu.memory_space<hbm>>
    tpu.enqueue_dma source(%dma_start3A_237 : memref<512x512xf32, #tpu.memory_space<hbm>>) target(%dma_start3A_234 : memref<512x512xf32, #tpu.memory_space<vmem>>) target_semaphore(%dma_start3A_230 : memref<!tpu.dma_semaphore, #tpu.memory_space<semaphore_mem>>)
    %dma_wait3A_238 = arith.constant 2 : i32
    %dma_wait3A_239 = arith.constant 2 : i32
    %dma_wait3A_240 = tpu.memref_slice %arg5[%dma_wait3A_239] : memref<4x!tpu.dma_semaphore, #tpu.memory_space<semaphore_mem>> -> memref<1x!tpu.dma_semaphore, #tpu.memory_space<semaphore_mem>>
    %dma_wait3A_241 = tpu.memref_squeeze %dma_wait3A_240 : memref<1x!tpu.dma_semaphore, #tpu.memory_space<semaphore_mem>> -> memref<!tpu.dma_semaphore, #tpu.memory_space<semaphore_mem>>
    %dma_wait3A_242 = arith.constant 0 : i32
    %dma_wait3A_243 = arith.constant 0 : i32
    %dma_wait3A_244 = tpu.memref_slice %arg3[%dma_wait3A_238, %dma_wait3A_242, %dma_wait3A_243] : memref<4x512x512xf32, #tpu.memory_space<vmem>> -> memref<1x512x512xf32, #tpu.memory_space<vmem>>
    %dma_wait3A_245 = tpu.memref_squeeze %dma_wait3A_244 : memref<1x512x512xf32, #tpu.memory_space<vmem>> -> memref<512x512xf32, #tpu.memory_space<vmem>>
    %dma_wait3A_246 = arith.constant 0 : i32
    %dma_wait3A_247 = arith.constant 0 : i32
    %dma_wait3A_248 = tpu.memref_slice %arg0[%dma_wait3A_246, %dma_wait3A_247] : memref<8192x512xf32, #tpu.memory_space<hbm>> -> memref<512x512xf32, #tpu.memory_space<hbm>>
    tpu.wait_dma2 semaphore(%dma_wait3A_241 : memref<!tpu.dma_semaphore, #tpu.memory_space<semaphore_mem>>) src(%dma_wait3A_248 : memref<512x512xf32, #tpu.memory_space<hbm>>) dst(%dma_wait3A_245 : memref<512x512xf32, #tpu.memory_space<vmem>>)
    %dma_wait3A_249 = arith.constant 2 : i32
    %dma_wait3A_250 = arith.constant 2 : i32
    %dma_wait3A_251 = tpu.memref_slice %arg6[%dma_wait3A_250] : memref<4x!tpu.dma_semaphore, #tpu.memory_space<semaphore_mem>> -> memref<1x!tpu.dma_semaphore, #tpu.memory_space<semaphore_mem>>
    %dma_wait3A_252 = tpu.memref_squeeze %dma_wait3A_251 : memref<1x!tpu.dma_semaphore, #tpu.memory_space<semaphore_mem>> -> memref<!tpu.dma_semaphore, #tpu.memory_space<semaphore_mem>>
    %dma_wait3A_253 = arith.constant 0 : i32
    %dma_wait3A_254 = arith.constant 0 : i32
    %dma_wait3A_255 = tpu.memref_slice %arg4[%dma_wait3A_249, %dma_wait3A_253, %dma_wait3A_254] : memref<4x512x512xf32, #tpu.memory_space<vmem>> -> memref<1x512x512xf32, #tpu.memory_space<vmem>>
    %dma_wait3A_256 = tpu.memref_squeeze %dma_wait3A_255 : memref<1x512x512xf32, #tpu.memory_space<vmem>> -> memref<512x512xf32, #tpu.memory_space<vmem>>
    %dma_wait3A_257 = arith.constant 0 : i32
    %dma_wait3A_258 = arith.constant 0 : i32
    %dma_wait3A_259 = tpu.memref_slice %arg1[%dma_wait3A_257, %dma_wait3A_258] : memref<8192x512xf32, #tpu.memory_space<hbm>> -> memref<512x512xf32, #tpu.memory_space<hbm>>
    tpu.wait_dma2 semaphore(%dma_wait3A_252 : memref<!tpu.dma_semaphore, #tpu.memory_space<semaphore_mem>>) src(%dma_wait3A_259 : memref<512x512xf32, #tpu.memory_space<hbm>>) dst(%dma_wait3A_256 : memref<512x512xf32, #tpu.memory_space<vmem>>)
    %get3A_260 = arith.constant 2 : index
    %get3A_261 = arith.constant 0 : index
    %get3A_262 = arith.constant 0 : index
    %get3A_263 = vector.load %arg3[%get3A_260, %get3A_261, %get3A_262] : memref<4x512x512xf32, #tpu.memory_space<vmem>>, vector<1x512x512xf32>
    %get3A_264 = vector.shape_cast %get3A_263 : vector<1x512x512xf32> to vector<512x512xf32>
    %get3A_265 = arith.constant 2 : index
    %get3A_266 = arith.constant 0 : index
    %get3A_267 = arith.constant 0 : index
    %get3A_268 = vector.load %arg4[%get3A_265, %get3A_266, %get3A_267] : memref<4x512x512xf32, #tpu.memory_space<vmem>>, vector<1x512x512xf32>
    %get3A_269 = vector.shape_cast %get3A_268 : vector<1x512x512xf32> to vector<512x512xf32>
    %ge3A_270 = arith.constant 5.000000e-01 : f32
    %ge3A_271 = vector.broadcast %ge3A_270 : f32 to vector<512x512xf32>
    %ge3A_272 = arith.cmpf oge, %get3A_264, %ge3A_271 : vector<512x512xf32>
    %jit3A_273 = arith.constant 1.000000e+00 : f32
    %jit3A_274 = arith.constant 0.000000e+00 : f32
    %broadcast_in_dim3A_275 = vector.broadcast %jit3A_273 : f32 to vector<512x512xf32>
    %broadcast_in_dim3A_276 = vector.broadcast %jit3A_274 : f32 to vector<512x512xf32>
    %select_n3A_277 = arith.select %ge3A_272, %broadcast_in_dim3A_275, %broadcast_in_dim3A_276 : vector<512x512xi1>, vector<512x512xf32>
    %reshape3A_278 = vector.shape_cast %select_n3A_277 : vector<512x512xf32> to vector<64x8x4x128xf32>
    %reduce_sum3A_279 = arith.constant dense<0.000000e+00> : vector<8x128xf32>
    %reduce_sum3A_280 = vector.multi_reduction <add>, %reshape3A_278, %reduce_sum3A_279 [0, 2] : vector<64x8x4x128xf32> to vector<8x128xf32>
    %add3A_281 = arith.addf %add3A_204, %reduce_sum3A_280 : vector<8x128xf32>
    %reshape3A_282 = vector.shape_cast %get3A_269 : vector<512x512xf32> to vector<64x8x4x128xf32>
    %reduce_sum3A_283 = arith.constant dense<0.000000e+00> : vector<8x128xf32>
    %reduce_sum3A_284 = vector.multi_reduction <add>, %reshape3A_282, %reduce_sum3A_283 [0, 2] : vector<64x8x4x128xf32> to vector<8x128xf32>
    %add3A_285 = arith.addf %add3A_208, %reduce_sum3A_284 : vector<8x128xf32>
    %jit3A_286 = arith.constant 0.000000e+00 : f32
    %broadcast_in_dim3A_287 = vector.broadcast %jit3A_286 : f32 to vector<512x512xf32>
    %select_n3A_288 = arith.select %ge3A_272, %get3A_269, %broadcast_in_dim3A_287 : vector<512x512xi1>, vector<512x512xf32>
    %reshape3A_289 = vector.shape_cast %select_n3A_288 : vector<512x512xf32> to vector<64x8x4x128xf32>
    %reduce_sum3A_290 = arith.constant dense<0.000000e+00> : vector<8x128xf32>
    %reduce_sum3A_291 = vector.multi_reduction <add>, %reshape3A_289, %reduce_sum3A_290 [0, 2] : vector<64x8x4x128xf32> to vector<8x128xf32>
    %add3A_292 = arith.addf %add3A_215, %reduce_sum3A_291 : vector<8x128xf32>
    %dma_start3A_293 = arith.constant 2 : i32
    %dma_start3A_294 = arith.constant 2 : i32
    %dma_start3A_295 = tpu.memref_slice %arg5[%dma_start3A_294] : memref<4x!tpu.dma_semaphore, #tpu.memory_space<semaphore_mem>> -> memref<1x!tpu.dma_semaphore, #tpu.memory_space<semaphore_mem>>
    %dma_start3A_296 = tpu.memref_squeeze %dma_start3A_295 : memref<1x!tpu.dma_semaphore, #tpu.memory_space<semaphore_mem>> -> memref<!tpu.dma_semaphore, #tpu.memory_space<semaphore_mem>>
    %dma_start3A_297 = arith.constant 0 : i32
    %dma_start3A_298 = arith.constant 0 : i32
    %dma_start3A_299 = tpu.memref_slice %arg3[%dma_start3A_293, %dma_start3A_297, %dma_start3A_298] : memref<4x512x512xf32, #tpu.memory_space<vmem>> -> memref<1x512x512xf32, #tpu.memory_space<vmem>>
    %dma_start3A_300 = tpu.memref_squeeze %dma_start3A_299 : memref<1x512x512xf32, #tpu.memory_space<vmem>> -> memref<512x512xf32, #tpu.memory_space<vmem>>
    %dma_start3A_301 = arith.constant 7168 : i32
    %dma_start3A_302 = arith.constant 0 : i32
    %dma_start3A_303 = tpu.memref_slice %arg0[%dma_start3A_301, %dma_start3A_302] : memref<8192x512xf32, #tpu.memory_space<hbm>> -> memref<512x512xf32, #tpu.memory_space<hbm>>
    tpu.enqueue_dma source(%dma_start3A_303 : memref<512x512xf32, #tpu.memory_space<hbm>>) target(%dma_start3A_300 : memref<512x512xf32, #tpu.memory_space<vmem>>) target_semaphore(%dma_start3A_296 : memref<!tpu.dma_semaphore, #tpu.memory_space<semaphore_mem>>)
    %dma_start3A_304 = arith.constant 2 : i32
    %dma_start3A_305 = arith.constant 2 : i32
    %dma_start3A_306 = tpu.memref_slice %arg6[%dma_start3A_305] : memref<4x!tpu.dma_semaphore, #tpu.memory_space<semaphore_mem>> -> memref<1x!tpu.dma_semaphore, #tpu.memory_space<semaphore_mem>>
    %dma_start3A_307 = tpu.memref_squeeze %dma_start3A_306 : memref<1x!tpu.dma_semaphore, #tpu.memory_space<semaphore_mem>> -> memref<!tpu.dma_semaphore, #tpu.memory_space<semaphore_mem>>
    %dma_start3A_308 = arith.constant 0 : i32
    %dma_start3A_309 = arith.constant 0 : i32
    %dma_start3A_310 = tpu.memref_slice %arg4[%dma_start3A_304, %dma_start3A_308, %dma_start3A_309] : memref<4x512x512xf32, #tpu.memory_space<vmem>> -> memref<1x512x512xf32, #tpu.memory_space<vmem>>
    %dma_start3A_311 = tpu.memref_squeeze %dma_start3A_310 : memref<1x512x512xf32, #tpu.memory_space<vmem>> -> memref<512x512xf32, #tpu.memory_space<vmem>>
    %dma_start3A_312 = arith.constant 7168 : i32
    %dma_start3A_313 = arith.constant 0 : i32
    %dma_start3A_314 = tpu.memref_slice %arg1[%dma_start3A_312, %dma_start3A_313] : memref<8192x512xf32, #tpu.memory_space<hbm>> -> memref<512x512xf32, #tpu.memory_space<hbm>>
    tpu.enqueue_dma source(%dma_start3A_314 : memref<512x512xf32, #tpu.memory_space<hbm>>) target(%dma_start3A_311 : memref<512x512xf32, #tpu.memory_space<vmem>>) target_semaphore(%dma_start3A_307 : memref<!tpu.dma_semaphore, #tpu.memory_space<semaphore_mem>>)
    %dma_wait3A_315 = arith.constant 3 : i32
    %dma_wait3A_316 = arith.constant 3 : i32
    %dma_wait3A_317 = tpu.memref_slice %arg5[%dma_wait3A_316] : memref<4x!tpu.dma_semaphore, #tpu.memory_space<semaphore_mem>> -> memref<1x!tpu.dma_semaphore, #tpu.memory_space<semaphore_mem>>
    %dma_wait3A_318 = tpu.memref_squeeze %dma_wait3A_317 : memref<1x!tpu.dma_semaphore, #tpu.memory_space<semaphore_mem>> -> memref<!tpu.dma_semaphore, #tpu.memory_space<semaphore_mem>>
    %dma_wait3A_319 = arith.constant 0 : i32
    %dma_wait3A_320 = arith.constant 0 : i32
    %dma_wait3A_321 = tpu.memref_slice %arg3[%dma_wait3A_315, %dma_wait3A_319, %dma_wait3A_320] : memref<4x512x512xf32, #tpu.memory_space<vmem>> -> memref<1x512x512xf32, #tpu.memory_space<vmem>>
    %dma_wait3A_322 = tpu.memref_squeeze %dma_wait3A_321 : memref<1x512x512xf32, #tpu.memory_space<vmem>> -> memref<512x512xf32, #tpu.memory_space<vmem>>
    %dma_wait3A_323 = arith.constant 0 : i32
    %dma_wait3A_324 = arith.constant 0 : i32
    %dma_wait3A_325 = tpu.memref_slice %arg0[%dma_wait3A_323, %dma_wait3A_324] : memref<8192x512xf32, #tpu.memory_space<hbm>> -> memref<512x512xf32, #tpu.memory_space<hbm>>
    tpu.wait_dma2 semaphore(%dma_wait3A_318 : memref<!tpu.dma_semaphore, #tpu.memory_space<semaphore_mem>>) src(%dma_wait3A_325 : memref<512x512xf32, #tpu.memory_space<hbm>>) dst(%dma_wait3A_322 : memref<512x512xf32, #tpu.memory_space<vmem>>)
    %dma_wait3A_326 = arith.constant 3 : i32
    %dma_wait3A_327 = arith.constant 3 : i32
    %dma_wait3A_328 = tpu.memref_slice %arg6[%dma_wait3A_327] : memref<4x!tpu.dma_semaphore, #tpu.memory_space<semaphore_mem>> -> memref<1x!tpu.dma_semaphore, #tpu.memory_space<semaphore_mem>>
    %dma_wait3A_329 = tpu.memref_squeeze %dma_wait3A_328 : memref<1x!tpu.dma_semaphore, #tpu.memory_space<semaphore_mem>> -> memref<!tpu.dma_semaphore, #tpu.memory_space<semaphore_mem>>
    %dma_wait3A_330 = arith.constant 0 : i32
    %dma_wait3A_331 = arith.constant 0 : i32
    %dma_wait3A_332 = tpu.memref_slice %arg4[%dma_wait3A_326, %dma_wait3A_330, %dma_wait3A_331] : memref<4x512x512xf32, #tpu.memory_space<vmem>> -> memref<1x512x512xf32, #tpu.memory_space<vmem>>
    %dma_wait3A_333 = tpu.memref_squeeze %dma_wait3A_332 : memref<1x512x512xf32, #tpu.memory_space<vmem>> -> memref<512x512xf32, #tpu.memory_space<vmem>>
    %dma_wait3A_334 = arith.constant 0 : i32
    %dma_wait3A_335 = arith.constant 0 : i32
    %dma_wait3A_336 = tpu.memref_slice %arg1[%dma_wait3A_334, %dma_wait3A_335] : memref<8192x512xf32, #tpu.memory_space<hbm>> -> memref<512x512xf32, #tpu.memory_space<hbm>>
    tpu.wait_dma2 semaphore(%dma_wait3A_329 : memref<!tpu.dma_semaphore, #tpu.memory_space<semaphore_mem>>) src(%dma_wait3A_336 : memref<512x512xf32, #tpu.memory_space<hbm>>) dst(%dma_wait3A_333 : memref<512x512xf32, #tpu.memory_space<vmem>>)
    %get3A_337 = arith.constant 3 : index
    %get3A_338 = arith.constant 0 : index
    %get3A_339 = arith.constant 0 : index
    %get3A_340 = vector.load %arg3[%get3A_337, %get3A_338, %get3A_339] : memref<4x512x512xf32, #tpu.memory_space<vmem>>, vector<1x512x512xf32>
    %get3A_341 = vector.shape_cast %get3A_340 : vector<1x512x512xf32> to vector<512x512xf32>
    %get3A_342 = arith.constant 3 : index
    %get3A_343 = arith.constant 0 : index
    %get3A_344 = arith.constant 0 : index
    %get3A_345 = vector.load %arg4[%get3A_342, %get3A_343, %get3A_344] : memref<4x512x512xf32, #tpu.memory_space<vmem>>, vector<1x512x512xf32>
    %get3A_346 = vector.shape_cast %get3A_345 : vector<1x512x512xf32> to vector<512x512xf32>
    %ge3A_347 = arith.constant 5.000000e-01 : f32
    %ge3A_348 = vector.broadcast %ge3A_347 : f32 to vector<512x512xf32>
    %ge3A_349 = arith.cmpf oge, %get3A_341, %ge3A_348 : vector<512x512xf32>
    %jit3A_350 = arith.constant 1.000000e+00 : f32
    %jit3A_351 = arith.constant 0.000000e+00 : f32
    %broadcast_in_dim3A_352 = vector.broadcast %jit3A_350 : f32 to vector<512x512xf32>
    %broadcast_in_dim3A_353 = vector.broadcast %jit3A_351 : f32 to vector<512x512xf32>
    %select_n3A_354 = arith.select %ge3A_349, %broadcast_in_dim3A_352, %broadcast_in_dim3A_353 : vector<512x512xi1>, vector<512x512xf32>
    %reshape3A_355 = vector.shape_cast %select_n3A_354 : vector<512x512xf32> to vector<64x8x4x128xf32>
    %reduce_sum3A_356 = arith.constant dense<0.000000e+00> : vector<8x128xf32>
    %reduce_sum3A_357 = vector.multi_reduction <add>, %reshape3A_355, %reduce_sum3A_356 [0, 2] : vector<64x8x4x128xf32> to vector<8x128xf32>
    %add3A_358 = arith.addf %add3A_281, %reduce_sum3A_357 : vector<8x128xf32>
    %reshape3A_359 = vector.shape_cast %get3A_346 : vector<512x512xf32> to vector<64x8x4x128xf32>
    %reduce_sum3A_360 = arith.constant dense<0.000000e+00> : vector<8x128xf32>
    %reduce_sum3A_361 = vector.multi_reduction <add>, %reshape3A_359, %reduce_sum3A_360 [0, 2] : vector<64x8x4x128xf32> to vector<8x128xf32>
    %add3A_362 = arith.addf %add3A_285, %reduce_sum3A_361 : vector<8x128xf32>
    %jit3A_363 = arith.constant 0.000000e+00 : f32
    %broadcast_in_dim3A_364 = vector.broadcast %jit3A_363 : f32 to vector<512x512xf32>
    %select_n3A_365 = arith.select %ge3A_349, %get3A_346, %broadcast_in_dim3A_364 : vector<512x512xi1>, vector<512x512xf32>
    %reshape3A_366 = vector.shape_cast %select_n3A_365 : vector<512x512xf32> to vector<64x8x4x128xf32>
    %reduce_sum3A_367 = arith.constant dense<0.000000e+00> : vector<8x128xf32>
    %reduce_sum3A_368 = vector.multi_reduction <add>, %reshape3A_366, %reduce_sum3A_367 [0, 2] : vector<64x8x4x128xf32> to vector<8x128xf32>
    %add3A_369 = arith.addf %add3A_292, %reduce_sum3A_368 : vector<8x128xf32>
    %dma_start3A_370 = arith.constant 3 : i32
    %dma_start3A_371 = arith.constant 3 : i32
    %dma_start3A_372 = tpu.memref_slice %arg5[%dma_start3A_371] : memref<4x!tpu.dma_semaphore, #tpu.memory_space<semaphore_mem>> -> memref<1x!tpu.dma_semaphore, #tpu.memory_space<semaphore_mem>>
    %dma_start3A_373 = tpu.memref_squeeze %dma_start3A_372 : memref<1x!tpu.dma_semaphore, #tpu.memory_space<semaphore_mem>> -> memref<!tpu.dma_semaphore, #tpu.memory_space<semaphore_mem>>
    %dma_start3A_374 = arith.constant 0 : i32
    %dma_start3A_375 = arith.constant 0 : i32
    %dma_start3A_376 = tpu.memref_slice %arg3[%dma_start3A_370, %dma_start3A_374, %dma_start3A_375] : memref<4x512x512xf32, #tpu.memory_space<vmem>> -> memref<1x512x512xf32, #tpu.memory_space<vmem>>
    %dma_start3A_377 = tpu.memref_squeeze %dma_start3A_376 : memref<1x512x512xf32, #tpu.memory_space<vmem>> -> memref<512x512xf32, #tpu.memory_space<vmem>>
    %dma_start3A_378 = arith.constant 7680 : i32
    %dma_start3A_379 = arith.constant 0 : i32
    %dma_start3A_380 = tpu.memref_slice %arg0[%dma_start3A_378, %dma_start3A_379] : memref<8192x512xf32, #tpu.memory_space<hbm>> -> memref<512x512xf32, #tpu.memory_space<hbm>>
    tpu.enqueue_dma source(%dma_start3A_380 : memref<512x512xf32, #tpu.memory_space<hbm>>) target(%dma_start3A_377 : memref<512x512xf32, #tpu.memory_space<vmem>>) target_semaphore(%dma_start3A_373 : memref<!tpu.dma_semaphore, #tpu.memory_space<semaphore_mem>>)
    %dma_start3A_381 = arith.constant 3 : i32
    %dma_start3A_382 = arith.constant 3 : i32
    %dma_start3A_383 = tpu.memref_slice %arg6[%dma_start3A_382] : memref<4x!tpu.dma_semaphore, #tpu.memory_space<semaphore_mem>> -> memref<1x!tpu.dma_semaphore, #tpu.memory_space<semaphore_mem>>
    %dma_start3A_384 = tpu.memref_squeeze %dma_start3A_383 : memref<1x!tpu.dma_semaphore, #tpu.memory_space<semaphore_mem>> -> memref<!tpu.dma_semaphore, #tpu.memory_space<semaphore_mem>>
    %dma_start3A_385 = arith.constant 0 : i32
    %dma_start3A_386 = arith.constant 0 : i32
    %dma_start3A_387 = tpu.memref_slice %arg4[%dma_start3A_381, %dma_start3A_385, %dma_start3A_386] : memref<4x512x512xf32, #tpu.memory_space<vmem>> -> memref<1x512x512xf32, #tpu.memory_space<vmem>>
    %dma_start3A_388 = tpu.memref_squeeze %dma_start3A_387 : memref<1x512x512xf32, #tpu.memory_space<vmem>> -> memref<512x512xf32, #tpu.memory_space<vmem>>
    %dma_start3A_389 = arith.constant 7680 : i32
    %dma_start3A_390 = arith.constant 0 : i32
    %dma_start3A_391 = tpu.memref_slice %arg1[%dma_start3A_389, %dma_start3A_390] : memref<8192x512xf32, #tpu.memory_space<hbm>> -> memref<512x512xf32, #tpu.memory_space<hbm>>
    tpu.enqueue_dma source(%dma_start3A_391 : memref<512x512xf32, #tpu.memory_space<hbm>>) target(%dma_start3A_388 : memref<512x512xf32, #tpu.memory_space<vmem>>) target_semaphore(%dma_start3A_384 : memref<!tpu.dma_semaphore, #tpu.memory_space<semaphore_mem>>)
    %dma_wait3A_392 = arith.constant 0 : i32
    %dma_wait3A_393 = arith.constant 0 : i32
    %dma_wait3A_394 = tpu.memref_slice %arg5[%dma_wait3A_393] : memref<4x!tpu.dma_semaphore, #tpu.memory_space<semaphore_mem>> -> memref<1x!tpu.dma_semaphore, #tpu.memory_space<semaphore_mem>>
    %dma_wait3A_395 = tpu.memref_squeeze %dma_wait3A_394 : memref<1x!tpu.dma_semaphore, #tpu.memory_space<semaphore_mem>> -> memref<!tpu.dma_semaphore, #tpu.memory_space<semaphore_mem>>
    %dma_wait3A_396 = arith.constant 0 : i32
    %dma_wait3A_397 = arith.constant 0 : i32
    %dma_wait3A_398 = tpu.memref_slice %arg3[%dma_wait3A_392, %dma_wait3A_396, %dma_wait3A_397] : memref<4x512x512xf32, #tpu.memory_space<vmem>> -> memref<1x512x512xf32, #tpu.memory_space<vmem>>
    %dma_wait3A_399 = tpu.memref_squeeze %dma_wait3A_398 : memref<1x512x512xf32, #tpu.memory_space<vmem>> -> memref<512x512xf32, #tpu.memory_space<vmem>>
    %dma_wait3A_400 = arith.constant 0 : i32
    %dma_wait3A_401 = arith.constant 0 : i32
    %dma_wait3A_402 = tpu.memref_slice %arg0[%dma_wait3A_400, %dma_wait3A_401] : memref<8192x512xf32, #tpu.memory_space<hbm>> -> memref<512x512xf32, #tpu.memory_space<hbm>>
    tpu.wait_dma2 semaphore(%dma_wait3A_395 : memref<!tpu.dma_semaphore, #tpu.memory_space<semaphore_mem>>) src(%dma_wait3A_402 : memref<512x512xf32, #tpu.memory_space<hbm>>) dst(%dma_wait3A_399 : memref<512x512xf32, #tpu.memory_space<vmem>>)
    %dma_wait3A_403 = arith.constant 0 : i32
    %dma_wait3A_404 = arith.constant 0 : i32
    %dma_wait3A_405 = tpu.memref_slice %arg6[%dma_wait3A_404] : memref<4x!tpu.dma_semaphore, #tpu.memory_space<semaphore_mem>> -> memref<1x!tpu.dma_semaphore, #tpu.memory_space<semaphore_mem>>
    %dma_wait3A_406 = tpu.memref_squeeze %dma_wait3A_405 : memref<1x!tpu.dma_semaphore, #tpu.memory_space<semaphore_mem>> -> memref<!tpu.dma_semaphore, #tpu.memory_space<semaphore_mem>>
    %dma_wait3A_407 = arith.constant 0 : i32
    %dma_wait3A_408 = arith.constant 0 : i32
    %dma_wait3A_409 = tpu.memref_slice %arg4[%dma_wait3A_403, %dma_wait3A_407, %dma_wait3A_408] : memref<4x512x512xf32, #tpu.memory_space<vmem>> -> memref<1x512x512xf32, #tpu.memory_space<vmem>>
    %dma_wait3A_410 = tpu.memref_squeeze %dma_wait3A_409 : memref<1x512x512xf32, #tpu.memory_space<vmem>> -> memref<512x512xf32, #tpu.memory_space<vmem>>
    %dma_wait3A_411 = arith.constant 0 : i32
    %dma_wait3A_412 = arith.constant 0 : i32
    %dma_wait3A_413 = tpu.memref_slice %arg1[%dma_wait3A_411, %dma_wait3A_412] : memref<8192x512xf32, #tpu.memory_space<hbm>> -> memref<512x512xf32, #tpu.memory_space<hbm>>
    tpu.wait_dma2 semaphore(%dma_wait3A_406 : memref<!tpu.dma_semaphore, #tpu.memory_space<semaphore_mem>>) src(%dma_wait3A_413 : memref<512x512xf32, #tpu.memory_space<hbm>>) dst(%dma_wait3A_410 : memref<512x512xf32, #tpu.memory_space<vmem>>)
    %get3A_414 = arith.constant 0 : index
    %get3A_415 = arith.constant 0 : index
    %get3A_416 = arith.constant 0 : index
    %get3A_417 = vector.load %arg3[%get3A_414, %get3A_415, %get3A_416] : memref<4x512x512xf32, #tpu.memory_space<vmem>>, vector<1x512x512xf32>
    %get3A_418 = vector.shape_cast %get3A_417 : vector<1x512x512xf32> to vector<512x512xf32>
    %get3A_419 = arith.constant 0 : index
    %get3A_420 = arith.constant 0 : index
    %get3A_421 = arith.constant 0 : index
    %get3A_422 = vector.load %arg4[%get3A_419, %get3A_420, %get3A_421] : memref<4x512x512xf32, #tpu.memory_space<vmem>>, vector<1x512x512xf32>
    %get3A_423 = vector.shape_cast %get3A_422 : vector<1x512x512xf32> to vector<512x512xf32>
    %ge3A_424 = arith.constant 5.000000e-01 : f32
    %ge3A_425 = vector.broadcast %ge3A_424 : f32 to vector<512x512xf32>
    %ge3A_426 = arith.cmpf oge, %get3A_418, %ge3A_425 : vector<512x512xf32>
    %jit3A_427 = arith.constant 1.000000e+00 : f32
    %jit3A_428 = arith.constant 0.000000e+00 : f32
    %broadcast_in_dim3A_429 = vector.broadcast %jit3A_427 : f32 to vector<512x512xf32>
    %broadcast_in_dim3A_430 = vector.broadcast %jit3A_428 : f32 to vector<512x512xf32>
    %select_n3A_431 = arith.select %ge3A_426, %broadcast_in_dim3A_429, %broadcast_in_dim3A_430 : vector<512x512xi1>, vector<512x512xf32>
    %reshape3A_432 = vector.shape_cast %select_n3A_431 : vector<512x512xf32> to vector<64x8x4x128xf32>
    %reduce_sum3A_433 = arith.constant dense<0.000000e+00> : vector<8x128xf32>
    %reduce_sum3A_434 = vector.multi_reduction <add>, %reshape3A_432, %reduce_sum3A_433 [0, 2] : vector<64x8x4x128xf32> to vector<8x128xf32>
    %add3A_435 = arith.addf %add3A_358, %reduce_sum3A_434 : vector<8x128xf32>
    %reshape3A_436 = vector.shape_cast %get3A_423 : vector<512x512xf32> to vector<64x8x4x128xf32>
    %reduce_sum3A_437 = arith.constant dense<0.000000e+00> : vector<8x128xf32>
    %reduce_sum3A_438 = vector.multi_reduction <add>, %reshape3A_436, %reduce_sum3A_437 [0, 2] : vector<64x8x4x128xf32> to vector<8x128xf32>
    %add3A_439 = arith.addf %add3A_362, %reduce_sum3A_438 : vector<8x128xf32>
    %jit3A_440 = arith.constant 0.000000e+00 : f32
    %broadcast_in_dim3A_441 = vector.broadcast %jit3A_440 : f32 to vector<512x512xf32>
    %select_n3A_442 = arith.select %ge3A_426, %get3A_423, %broadcast_in_dim3A_441 : vector<512x512xi1>, vector<512x512xf32>
    %reshape3A_443 = vector.shape_cast %select_n3A_442 : vector<512x512xf32> to vector<64x8x4x128xf32>
    %reduce_sum3A_444 = arith.constant dense<0.000000e+00> : vector<8x128xf32>
    %reduce_sum3A_445 = vector.multi_reduction <add>, %reshape3A_443, %reduce_sum3A_444 [0, 2] : vector<64x8x4x128xf32> to vector<8x128xf32>
    %add3A_446 = arith.addf %add3A_369, %reduce_sum3A_445 : vector<8x128xf32>
    %dma_wait3A_447 = arith.constant 1 : i32
    %dma_wait3A_448 = arith.constant 1 : i32
    %dma_wait3A_449 = tpu.memref_slice %arg5[%dma_wait3A_448] : memref<4x!tpu.dma_semaphore, #tpu.memory_space<semaphore_mem>> -> memref<1x!tpu.dma_semaphore, #tpu.memory_space<semaphore_mem>>
    %dma_wait3A_450 = tpu.memref_squeeze %dma_wait3A_449 : memref<1x!tpu.dma_semaphore, #tpu.memory_space<semaphore_mem>> -> memref<!tpu.dma_semaphore, #tpu.memory_space<semaphore_mem>>
    %dma_wait3A_451 = arith.constant 0 : i32
    %dma_wait3A_452 = arith.constant 0 : i32
    %dma_wait3A_453 = tpu.memref_slice %arg3[%dma_wait3A_447, %dma_wait3A_451, %dma_wait3A_452] : memref<4x512x512xf32, #tpu.memory_space<vmem>> -> memref<1x512x512xf32, #tpu.memory_space<vmem>>
    %dma_wait3A_454 = tpu.memref_squeeze %dma_wait3A_453 : memref<1x512x512xf32, #tpu.memory_space<vmem>> -> memref<512x512xf32, #tpu.memory_space<vmem>>
    %dma_wait3A_455 = arith.constant 0 : i32
    %dma_wait3A_456 = arith.constant 0 : i32
    %dma_wait3A_457 = tpu.memref_slice %arg0[%dma_wait3A_455, %dma_wait3A_456] : memref<8192x512xf32, #tpu.memory_space<hbm>> -> memref<512x512xf32, #tpu.memory_space<hbm>>
    tpu.wait_dma2 semaphore(%dma_wait3A_450 : memref<!tpu.dma_semaphore, #tpu.memory_space<semaphore_mem>>) src(%dma_wait3A_457 : memref<512x512xf32, #tpu.memory_space<hbm>>) dst(%dma_wait3A_454 : memref<512x512xf32, #tpu.memory_space<vmem>>)
    %dma_wait3A_458 = arith.constant 1 : i32
    %dma_wait3A_459 = arith.constant 1 : i32
    %dma_wait3A_460 = tpu.memref_slice %arg6[%dma_wait3A_459] : memref<4x!tpu.dma_semaphore, #tpu.memory_space<semaphore_mem>> -> memref<1x!tpu.dma_semaphore, #tpu.memory_space<semaphore_mem>>
    %dma_wait3A_461 = tpu.memref_squeeze %dma_wait3A_460 : memref<1x!tpu.dma_semaphore, #tpu.memory_space<semaphore_mem>> -> memref<!tpu.dma_semaphore, #tpu.memory_space<semaphore_mem>>
    %dma_wait3A_462 = arith.constant 0 : i32
    %dma_wait3A_463 = arith.constant 0 : i32
    %dma_wait3A_464 = tpu.memref_slice %arg4[%dma_wait3A_458, %dma_wait3A_462, %dma_wait3A_463] : memref<4x512x512xf32, #tpu.memory_space<vmem>> -> memref<1x512x512xf32, #tpu.memory_space<vmem>>
    %dma_wait3A_465 = tpu.memref_squeeze %dma_wait3A_464 : memref<1x512x512xf32, #tpu.memory_space<vmem>> -> memref<512x512xf32, #tpu.memory_space<vmem>>
    %dma_wait3A_466 = arith.constant 0 : i32
    %dma_wait3A_467 = arith.constant 0 : i32
    %dma_wait3A_468 = tpu.memref_slice %arg1[%dma_wait3A_466, %dma_wait3A_467] : memref<8192x512xf32, #tpu.memory_space<hbm>> -> memref<512x512xf32, #tpu.memory_space<hbm>>
    tpu.wait_dma2 semaphore(%dma_wait3A_461 : memref<!tpu.dma_semaphore, #tpu.memory_space<semaphore_mem>>) src(%dma_wait3A_468 : memref<512x512xf32, #tpu.memory_space<hbm>>) dst(%dma_wait3A_465 : memref<512x512xf32, #tpu.memory_space<vmem>>)
    %get3A_469 = arith.constant 1 : index
    %get3A_470 = arith.constant 0 : index
    %get3A_471 = arith.constant 0 : index
    %get3A_472 = vector.load %arg3[%get3A_469, %get3A_470, %get3A_471] : memref<4x512x512xf32, #tpu.memory_space<vmem>>, vector<1x512x512xf32>
    %get3A_473 = vector.shape_cast %get3A_472 : vector<1x512x512xf32> to vector<512x512xf32>
    %get3A_474 = arith.constant 1 : index
    %get3A_475 = arith.constant 0 : index
    %get3A_476 = arith.constant 0 : index
    %get3A_477 = vector.load %arg4[%get3A_474, %get3A_475, %get3A_476] : memref<4x512x512xf32, #tpu.memory_space<vmem>>, vector<1x512x512xf32>
    %get3A_478 = vector.shape_cast %get3A_477 : vector<1x512x512xf32> to vector<512x512xf32>
    %ge3A_479 = arith.constant 5.000000e-01 : f32
    %ge3A_480 = vector.broadcast %ge3A_479 : f32 to vector<512x512xf32>
    %ge3A_481 = arith.cmpf oge, %get3A_473, %ge3A_480 : vector<512x512xf32>
    %jit3A_482 = arith.constant 1.000000e+00 : f32
    %jit3A_483 = arith.constant 0.000000e+00 : f32
    %broadcast_in_dim3A_484 = vector.broadcast %jit3A_482 : f32 to vector<512x512xf32>
    %broadcast_in_dim3A_485 = vector.broadcast %jit3A_483 : f32 to vector<512x512xf32>
    %select_n3A_486 = arith.select %ge3A_481, %broadcast_in_dim3A_484, %broadcast_in_dim3A_485 : vector<512x512xi1>, vector<512x512xf32>
    %reshape3A_487 = vector.shape_cast %select_n3A_486 : vector<512x512xf32> to vector<64x8x4x128xf32>
    %reduce_sum3A_488 = arith.constant dense<0.000000e+00> : vector<8x128xf32>
    %reduce_sum3A_489 = vector.multi_reduction <add>, %reshape3A_487, %reduce_sum3A_488 [0, 2] : vector<64x8x4x128xf32> to vector<8x128xf32>
    %add3A_490 = arith.addf %add3A_435, %reduce_sum3A_489 : vector<8x128xf32>
    %reshape3A_491 = vector.shape_cast %get3A_478 : vector<512x512xf32> to vector<64x8x4x128xf32>
    %reduce_sum3A_492 = arith.constant dense<0.000000e+00> : vector<8x128xf32>
    %reduce_sum3A_493 = vector.multi_reduction <add>, %reshape3A_491, %reduce_sum3A_492 [0, 2] : vector<64x8x4x128xf32> to vector<8x128xf32>
    %add3A_494 = arith.addf %add3A_439, %reduce_sum3A_493 : vector<8x128xf32>
    %jit3A_495 = arith.constant 0.000000e+00 : f32
    %broadcast_in_dim3A_496 = vector.broadcast %jit3A_495 : f32 to vector<512x512xf32>
    %select_n3A_497 = arith.select %ge3A_481, %get3A_478, %broadcast_in_dim3A_496 : vector<512x512xi1>, vector<512x512xf32>
    %reshape3A_498 = vector.shape_cast %select_n3A_497 : vector<512x512xf32> to vector<64x8x4x128xf32>
    %reduce_sum3A_499 = arith.constant dense<0.000000e+00> : vector<8x128xf32>
    %reduce_sum3A_500 = vector.multi_reduction <add>, %reshape3A_498, %reduce_sum3A_499 [0, 2] : vector<64x8x4x128xf32> to vector<8x128xf32>
    %add3A_501 = arith.addf %add3A_446, %reduce_sum3A_500 : vector<8x128xf32>
    %dma_wait3A_502 = arith.constant 2 : i32
    %dma_wait3A_503 = arith.constant 2 : i32
    %dma_wait3A_504 = tpu.memref_slice %arg5[%dma_wait3A_503] : memref<4x!tpu.dma_semaphore, #tpu.memory_space<semaphore_mem>> -> memref<1x!tpu.dma_semaphore, #tpu.memory_space<semaphore_mem>>
    %dma_wait3A_505 = tpu.memref_squeeze %dma_wait3A_504 : memref<1x!tpu.dma_semaphore, #tpu.memory_space<semaphore_mem>> -> memref<!tpu.dma_semaphore, #tpu.memory_space<semaphore_mem>>
    %dma_wait3A_506 = arith.constant 0 : i32
    %dma_wait3A_507 = arith.constant 0 : i32
    %dma_wait3A_508 = tpu.memref_slice %arg3[%dma_wait3A_502, %dma_wait3A_506, %dma_wait3A_507] : memref<4x512x512xf32, #tpu.memory_space<vmem>> -> memref<1x512x512xf32, #tpu.memory_space<vmem>>
    %dma_wait3A_509 = tpu.memref_squeeze %dma_wait3A_508 : memref<1x512x512xf32, #tpu.memory_space<vmem>> -> memref<512x512xf32, #tpu.memory_space<vmem>>
    %dma_wait3A_510 = arith.constant 0 : i32
    %dma_wait3A_511 = arith.constant 0 : i32
    %dma_wait3A_512 = tpu.memref_slice %arg0[%dma_wait3A_510, %dma_wait3A_511] : memref<8192x512xf32, #tpu.memory_space<hbm>> -> memref<512x512xf32, #tpu.memory_space<hbm>>
    tpu.wait_dma2 semaphore(%dma_wait3A_505 : memref<!tpu.dma_semaphore, #tpu.memory_space<semaphore_mem>>) src(%dma_wait3A_512 : memref<512x512xf32, #tpu.memory_space<hbm>>) dst(%dma_wait3A_509 : memref<512x512xf32, #tpu.memory_space<vmem>>)
    %dma_wait3A_513 = arith.constant 2 : i32
    %dma_wait3A_514 = arith.constant 2 : i32
    %dma_wait3A_515 = tpu.memref_slice %arg6[%dma_wait3A_514] : memref<4x!tpu.dma_semaphore, #tpu.memory_space<semaphore_mem>> -> memref<1x!tpu.dma_semaphore, #tpu.memory_space<semaphore_mem>>
    %dma_wait3A_516 = tpu.memref_squeeze %dma_wait3A_515 : memref<1x!tpu.dma_semaphore, #tpu.memory_space<semaphore_mem>> -> memref<!tpu.dma_semaphore, #tpu.memory_space<semaphore_mem>>
    %dma_wait3A_517 = arith.constant 0 : i32
    %dma_wait3A_518 = arith.constant 0 : i32
    %dma_wait3A_519 = tpu.memref_slice %arg4[%dma_wait3A_513, %dma_wait3A_517, %dma_wait3A_518] : memref<4x512x512xf32, #tpu.memory_space<vmem>> -> memref<1x512x512xf32, #tpu.memory_space<vmem>>
    %dma_wait3A_520 = tpu.memref_squeeze %dma_wait3A_519 : memref<1x512x512xf32, #tpu.memory_space<vmem>> -> memref<512x512xf32, #tpu.memory_space<vmem>>
    %dma_wait3A_521 = arith.constant 0 : i32
    %dma_wait3A_522 = arith.constant 0 : i32
    %dma_wait3A_523 = tpu.memref_slice %arg1[%dma_wait3A_521, %dma_wait3A_522] : memref<8192x512xf32, #tpu.memory_space<hbm>> -> memref<512x512xf32, #tpu.memory_space<hbm>>
    tpu.wait_dma2 semaphore(%dma_wait3A_516 : memref<!tpu.dma_semaphore, #tpu.memory_space<semaphore_mem>>) src(%dma_wait3A_523 : memref<512x512xf32, #tpu.memory_space<hbm>>) dst(%dma_wait3A_520 : memref<512x512xf32, #tpu.memory_space<vmem>>)
    %get3A_524 = arith.constant 2 : index
    %get3A_525 = arith.constant 0 : index
    %get3A_526 = arith.constant 0 : index
    %get3A_527 = vector.load %arg3[%get3A_524, %get3A_525, %get3A_526] : memref<4x512x512xf32, #tpu.memory_space<vmem>>, vector<1x512x512xf32>
    %get3A_528 = vector.shape_cast %get3A_527 : vector<1x512x512xf32> to vector<512x512xf32>
    %get3A_529 = arith.constant 2 : index
    %get3A_530 = arith.constant 0 : index
    %get3A_531 = arith.constant 0 : index
    %get3A_532 = vector.load %arg4[%get3A_529, %get3A_530, %get3A_531] : memref<4x512x512xf32, #tpu.memory_space<vmem>>, vector<1x512x512xf32>
    %get3A_533 = vector.shape_cast %get3A_532 : vector<1x512x512xf32> to vector<512x512xf32>
    %ge3A_534 = arith.constant 5.000000e-01 : f32
    %ge3A_535 = vector.broadcast %ge3A_534 : f32 to vector<512x512xf32>
    %ge3A_536 = arith.cmpf oge, %get3A_528, %ge3A_535 : vector<512x512xf32>
    %jit3A_537 = arith.constant 1.000000e+00 : f32
    %jit3A_538 = arith.constant 0.000000e+00 : f32
    %broadcast_in_dim3A_539 = vector.broadcast %jit3A_537 : f32 to vector<512x512xf32>
    %broadcast_in_dim3A_540 = vector.broadcast %jit3A_538 : f32 to vector<512x512xf32>
    %select_n3A_541 = arith.select %ge3A_536, %broadcast_in_dim3A_539, %broadcast_in_dim3A_540 : vector<512x512xi1>, vector<512x512xf32>
    %reshape3A_542 = vector.shape_cast %select_n3A_541 : vector<512x512xf32> to vector<64x8x4x128xf32>
    %reduce_sum3A_543 = arith.constant dense<0.000000e+00> : vector<8x128xf32>
    %reduce_sum3A_544 = vector.multi_reduction <add>, %reshape3A_542, %reduce_sum3A_543 [0, 2] : vector<64x8x4x128xf32> to vector<8x128xf32>
    %add3A_545 = arith.addf %add3A_490, %reduce_sum3A_544 : vector<8x128xf32>
    %reshape3A_546 = vector.shape_cast %get3A_533 : vector<512x512xf32> to vector<64x8x4x128xf32>
    %reduce_sum3A_547 = arith.constant dense<0.000000e+00> : vector<8x128xf32>
    %reduce_sum3A_548 = vector.multi_reduction <add>, %reshape3A_546, %reduce_sum3A_547 [0, 2] : vector<64x8x4x128xf32> to vector<8x128xf32>
    %add3A_549 = arith.addf %add3A_494, %reduce_sum3A_548 : vector<8x128xf32>
    %jit3A_550 = arith.constant 0.000000e+00 : f32
    %broadcast_in_dim3A_551 = vector.broadcast %jit3A_550 : f32 to vector<512x512xf32>
    %select_n3A_552 = arith.select %ge3A_536, %get3A_533, %broadcast_in_dim3A_551 : vector<512x512xi1>, vector<512x512xf32>
    %reshape3A_553 = vector.shape_cast %select_n3A_552 : vector<512x512xf32> to vector<64x8x4x128xf32>
    %reduce_sum3A_554 = arith.constant dense<0.000000e+00> : vector<8x128xf32>
    %reduce_sum3A_555 = vector.multi_reduction <add>, %reshape3A_553, %reduce_sum3A_554 [0, 2] : vector<64x8x4x128xf32> to vector<8x128xf32>
    %add3A_556 = arith.addf %add3A_501, %reduce_sum3A_555 : vector<8x128xf32>
    %dma_wait3A_557 = arith.constant 3 : i32
    %dma_wait3A_558 = arith.constant 3 : i32
    %dma_wait3A_559 = tpu.memref_slice %arg5[%dma_wait3A_558] : memref<4x!tpu.dma_semaphore, #tpu.memory_space<semaphore_mem>> -> memref<1x!tpu.dma_semaphore, #tpu.memory_space<semaphore_mem>>
    %dma_wait3A_560 = tpu.memref_squeeze %dma_wait3A_559 : memref<1x!tpu.dma_semaphore, #tpu.memory_space<semaphore_mem>> -> memref<!tpu.dma_semaphore, #tpu.memory_space<semaphore_mem>>
    %dma_wait3A_561 = arith.constant 0 : i32
    %dma_wait3A_562 = arith.constant 0 : i32
    %dma_wait3A_563 = tpu.memref_slice %arg3[%dma_wait3A_557, %dma_wait3A_561, %dma_wait3A_562] : memref<4x512x512xf32, #tpu.memory_space<vmem>> -> memref<1x512x512xf32, #tpu.memory_space<vmem>>
    %dma_wait3A_564 = tpu.memref_squeeze %dma_wait3A_563 : memref<1x512x512xf32, #tpu.memory_space<vmem>> -> memref<512x512xf32, #tpu.memory_space<vmem>>
    %dma_wait3A_565 = arith.constant 0 : i32
    %dma_wait3A_566 = arith.constant 0 : i32
    %dma_wait3A_567 = tpu.memref_slice %arg0[%dma_wait3A_565, %dma_wait3A_566] : memref<8192x512xf32, #tpu.memory_space<hbm>> -> memref<512x512xf32, #tpu.memory_space<hbm>>
    tpu.wait_dma2 semaphore(%dma_wait3A_560 : memref<!tpu.dma_semaphore, #tpu.memory_space<semaphore_mem>>) src(%dma_wait3A_567 : memref<512x512xf32, #tpu.memory_space<hbm>>) dst(%dma_wait3A_564 : memref<512x512xf32, #tpu.memory_space<vmem>>)
    %dma_wait3A_568 = arith.constant 3 : i32
    %dma_wait3A_569 = arith.constant 3 : i32
    %dma_wait3A_570 = tpu.memref_slice %arg6[%dma_wait3A_569] : memref<4x!tpu.dma_semaphore, #tpu.memory_space<semaphore_mem>> -> memref<1x!tpu.dma_semaphore, #tpu.memory_space<semaphore_mem>>
    %dma_wait3A_571 = tpu.memref_squeeze %dma_wait3A_570 : memref<1x!tpu.dma_semaphore, #tpu.memory_space<semaphore_mem>> -> memref<!tpu.dma_semaphore, #tpu.memory_space<semaphore_mem>>
    %dma_wait3A_572 = arith.constant 0 : i32
    %dma_wait3A_573 = arith.constant 0 : i32
    %dma_wait3A_574 = tpu.memref_slice %arg4[%dma_wait3A_568, %dma_wait3A_572, %dma_wait3A_573] : memref<4x512x512xf32, #tpu.memory_space<vmem>> -> memref<1x512x512xf32, #tpu.memory_space<vmem>>
    %dma_wait3A_575 = tpu.memref_squeeze %dma_wait3A_574 : memref<1x512x512xf32, #tpu.memory_space<vmem>> -> memref<512x512xf32, #tpu.memory_space<vmem>>
    %dma_wait3A_576 = arith.constant 0 : i32
    %dma_wait3A_577 = arith.constant 0 : i32
    %dma_wait3A_578 = tpu.memref_slice %arg1[%dma_wait3A_576, %dma_wait3A_577] : memref<8192x512xf32, #tpu.memory_space<hbm>> -> memref<512x512xf32, #tpu.memory_space<hbm>>
    tpu.wait_dma2 semaphore(%dma_wait3A_571 : memref<!tpu.dma_semaphore, #tpu.memory_space<semaphore_mem>>) src(%dma_wait3A_578 : memref<512x512xf32, #tpu.memory_space<hbm>>) dst(%dma_wait3A_575 : memref<512x512xf32, #tpu.memory_space<vmem>>)
    %get3A_579 = arith.constant 3 : index
    %get3A_580 = arith.constant 0 : index
    %get3A_581 = arith.constant 0 : index
    %get3A_582 = vector.load %arg3[%get3A_579, %get3A_580, %get3A_581] : memref<4x512x512xf32, #tpu.memory_space<vmem>>, vector<1x512x512xf32>
    %get3A_583 = vector.shape_cast %get3A_582 : vector<1x512x512xf32> to vector<512x512xf32>
    %get3A_584 = arith.constant 3 : index
    %get3A_585 = arith.constant 0 : index
    %get3A_586 = arith.constant 0 : index
    %get3A_587 = vector.load %arg4[%get3A_584, %get3A_585, %get3A_586] : memref<4x512x512xf32, #tpu.memory_space<vmem>>, vector<1x512x512xf32>
    %get3A_588 = vector.shape_cast %get3A_587 : vector<1x512x512xf32> to vector<512x512xf32>
    %ge3A_589 = arith.constant 5.000000e-01 : f32
    %ge3A_590 = vector.broadcast %ge3A_589 : f32 to vector<512x512xf32>
    %ge3A_591 = arith.cmpf oge, %get3A_583, %ge3A_590 : vector<512x512xf32>
    %jit3A_592 = arith.constant 1.000000e+00 : f32
    %jit3A_593 = arith.constant 0.000000e+00 : f32
    %broadcast_in_dim3A_594 = vector.broadcast %jit3A_592 : f32 to vector<512x512xf32>
    %broadcast_in_dim3A_595 = vector.broadcast %jit3A_593 : f32 to vector<512x512xf32>
    %select_n3A_596 = arith.select %ge3A_591, %broadcast_in_dim3A_594, %broadcast_in_dim3A_595 : vector<512x512xi1>, vector<512x512xf32>
    %reshape3A_597 = vector.shape_cast %select_n3A_596 : vector<512x512xf32> to vector<64x8x4x128xf32>
    %reduce_sum3A_598 = arith.constant dense<0.000000e+00> : vector<8x128xf32>
    %reduce_sum3A_599 = vector.multi_reduction <add>, %reshape3A_597, %reduce_sum3A_598 [0, 2] : vector<64x8x4x128xf32> to vector<8x128xf32>
    %add3A_600 = arith.addf %add3A_545, %reduce_sum3A_599 : vector<8x128xf32>
    %reshape3A_601 = vector.shape_cast %get3A_588 : vector<512x512xf32> to vector<64x8x4x128xf32>
    %reduce_sum3A_602 = arith.constant dense<0.000000e+00> : vector<8x128xf32>
    %reduce_sum3A_603 = vector.multi_reduction <add>, %reshape3A_601, %reduce_sum3A_602 [0, 2] : vector<64x8x4x128xf32> to vector<8x128xf32>
    %add3A_604 = arith.addf %add3A_549, %reduce_sum3A_603 : vector<8x128xf32>
    %jit3A_605 = arith.constant 0.000000e+00 : f32
    %broadcast_in_dim3A_606 = vector.broadcast %jit3A_605 : f32 to vector<512x512xf32>
    %select_n3A_607 = arith.select %ge3A_591, %get3A_588, %broadcast_in_dim3A_606 : vector<512x512xi1>, vector<512x512xf32>
    %reshape3A_608 = vector.shape_cast %select_n3A_607 : vector<512x512xf32> to vector<64x8x4x128xf32>
    %reduce_sum3A_609 = arith.constant dense<0.000000e+00> : vector<8x128xf32>
    %reduce_sum3A_610 = vector.multi_reduction <add>, %reshape3A_608, %reduce_sum3A_609 [0, 2] : vector<64x8x4x128xf32> to vector<8x128xf32>
    %add3A_611 = arith.addf %add3A_556, %reduce_sum3A_610 : vector<8x128xf32>
    %swap3A = arith.constant 0 : index
    %swap3A_612 = arith.constant 0 : index
    %swap3A_613 = arith.constant 0 : index
    %swap3A_614 = vector.load %arg2[%swap3A, %swap3A_612, %swap3A_613] : memref<3x8x128xf32, #tpu.memory_space<vmem>>, vector<1x8x128xf32>
    %swap3A_615 = vector.shape_cast %swap3A_614 : vector<1x8x128xf32> to vector<8x128xf32>
    %swap3A_616 = vector.shape_cast %add3A_611 : vector<8x128xf32> to vector<1x8x128xf32>
    tpu.vector_store %arg2[%swap3A, %swap3A_612, %swap3A_613], %swap3A_616 {strides = array<i32>} : memref<3x8x128xf32, #tpu.memory_space<vmem>>, vector<1x8x128xf32>,
    %swap3A_617 = arith.constant 1 : index
    %swap3A_618 = arith.constant 0 : index
    %swap3A_619 = arith.constant 0 : index
    %swap3A_620 = vector.load %arg2[%swap3A_617, %swap3A_618, %swap3A_619] : memref<3x8x128xf32, #tpu.memory_space<vmem>>, vector<1x8x128xf32>
    %swap3A_621 = vector.shape_cast %swap3A_620 : vector<1x8x128xf32> to vector<8x128xf32>
    %swap3A_622 = vector.shape_cast %add3A_600 : vector<8x128xf32> to vector<1x8x128xf32>
    tpu.vector_store %arg2[%swap3A_617, %swap3A_618, %swap3A_619], %swap3A_622 {strides = array<i32>} : memref<3x8x128xf32, #tpu.memory_space<vmem>>, vector<1x8x128xf32>,
    %swap3A_623 = arith.constant 2 : index
    %swap3A_624 = arith.constant 0 : index
    %swap3A_625 = arith.constant 0 : index
    %swap3A_626 = vector.load %arg2[%swap3A_623, %swap3A_624, %swap3A_625] : memref<3x8x128xf32, #tpu.memory_space<vmem>>, vector<1x8x128xf32>
    %swap3A_627 = vector.shape_cast %swap3A_626 : vector<1x8x128xf32> to vector<8x128xf32>
    %swap3A_628 = vector.shape_cast %add3A_604 : vector<8x128xf32> to vector<1x8x128xf32>
    tpu.vector_store %arg2[%swap3A_623, %swap3A_624, %swap3A_625], %swap3A_628 {strides = array<i32>} : memref<3x8x128xf32, #tpu.memory_space<vmem>>, vector<1x8x128xf32>,
    return
  }
}

module attributes {stable_mosaic.version = 14 : i64} {
  func.func @_finish_kernel(%arg0: memref<32x48xf32, #tpu.memory_space<vmem>>, %arg1: memref<3x8x128xf32, #tpu.memory_space<vmem>>, %arg2: memref<1x1xf32, #tpu.memory_space<vmem>>) attributes {dimension_semantics = [], scalar_prefetch = 0 : i64, scratch_operands = 0 : i64, tpu.core_type = #tpu.core_type<tc>} {
    %get3A = arith.constant 0 : index
    %get3A_0 = arith.constant 0 : index
    %get3A_1 = vector.load %arg0[%get3A, %get3A_0] : memref<32x48xf32, #tpu.memory_space<vmem>>, vector<32x48xf32>
    %get3A_2 = arith.constant 0 : index
    %get3A_3 = arith.constant 0 : index
    %get3A_4 = arith.constant 0 : index
    %get3A_5 = vector.load %arg1[%get3A_2, %get3A_3, %get3A_4] : memref<3x8x128xf32, #tpu.memory_space<vmem>>, vector<3x8x128xf32>
    %slice3A = vector.extract_strided_slice %get3A_1 {offsets = [0, 0], sizes = [32, 16], strides = [1, 1]} : vector<32x48xf32> to vector<32x16xf32>
    %reduce_sum3A = vector.shape_cast %slice3A : vector<32x16xf32> to vector<1x32x16xf32>
    %reduce_sum3A_6 = arith.constant dense<0.000000e+00> : vector<1xf32>
    %reduce_sum3A_7 = vector.multi_reduction <add>, %reduce_sum3A, %reduce_sum3A_6 [1, 2] : vector<1x32x16xf32> to vector<1xf32>
    %reduce_sum3A_8 = vector.shape_cast %reduce_sum3A_7 : vector<1xf32> to vector<1x1x1xf32>
    %reduce_sum3A_9 = vector.extract %reduce_sum3A_8[0, 0, 0] : f32 from vector<1x1x1xf32>
    %slice3A_10 = vector.extract_strided_slice %get3A_5 {offsets = [0, 0, 0], sizes = [1, 8, 128], strides = [1, 1, 1]} : vector<3x8x128xf32> to vector<1x8x128xf32>
    %squeeze3A = vector.shape_cast %slice3A_10 : vector<1x8x128xf32> to vector<8x128xf32>
    %reduce_sum3A_11 = vector.shape_cast %squeeze3A : vector<8x128xf32> to vector<1x8x128xf32>
    %reduce_sum3A_12 = arith.constant dense<0.000000e+00> : vector<1xf32>
    %reduce_sum3A_13 = vector.multi_reduction <add>, %reduce_sum3A_11, %reduce_sum3A_12 [1, 2] : vector<1x8x128xf32> to vector<1xf32>
    %reduce_sum3A_14 = vector.shape_cast %reduce_sum3A_13 : vector<1xf32> to vector<1x1x1xf32>
    %reduce_sum3A_15 = vector.extract %reduce_sum3A_14[0, 0, 0] : f32 from vector<1x1x1xf32>
    %add3A = arith.addf %reduce_sum3A_9, %reduce_sum3A_15 : f32
    %slice3A_16 = vector.extract_strided_slice %get3A_1 {offsets = [0, 16], sizes = [32, 16], strides = [1, 1]} : vector<32x48xf32> to vector<32x16xf32>
    %reduce_sum3A_17 = vector.shape_cast %slice3A_16 : vector<32x16xf32> to vector<1x32x16xf32>
    %reduce_sum3A_18 = arith.constant dense<0.000000e+00> : vector<1xf32>
    %reduce_sum3A_19 = vector.multi_reduction <add>, %reduce_sum3A_17, %reduce_sum3A_18 [1, 2] : vector<1x32x16xf32> to vector<1xf32>
    %reduce_sum3A_20 = vector.shape_cast %reduce_sum3A_19 : vector<1xf32> to vector<1x1x1xf32>
    %reduce_sum3A_21 = vector.extract %reduce_sum3A_20[0, 0, 0] : f32 from vector<1x1x1xf32>
    %slice3A_22 = vector.extract_strided_slice %get3A_5 {offsets = [1, 0, 0], sizes = [1, 8, 128], strides = [1, 1, 1]} : vector<3x8x128xf32> to vector<1x8x128xf32>
    %squeeze3A_23 = vector.shape_cast %slice3A_22 : vector<1x8x128xf32> to vector<8x128xf32>
    %reduce_sum3A_24 = vector.shape_cast %squeeze3A_23 : vector<8x128xf32> to vector<1x8x128xf32>
    %reduce_sum3A_25 = arith.constant dense<0.000000e+00> : vector<1xf32>
    %reduce_sum3A_26 = vector.multi_reduction <add>, %reduce_sum3A_24, %reduce_sum3A_25 [1, 2] : vector<1x8x128xf32> to vector<1xf32>
    %reduce_sum3A_27 = vector.shape_cast %reduce_sum3A_26 : vector<1xf32> to vector<1x1x1xf32>
    %reduce_sum3A_28 = vector.extract %reduce_sum3A_27[0, 0, 0] : f32 from vector<1x1x1xf32>
    %add3A_29 = arith.addf %reduce_sum3A_21, %reduce_sum3A_28 : f32
    %slice3A_30 = vector.extract_strided_slice %get3A_1 {offsets = [0, 32], sizes = [32, 16], strides = [1, 1]} : vector<32x48xf32> to vector<32x16xf32>
    %reduce_sum3A_31 = vector.shape_cast %slice3A_30 : vector<32x16xf32> to vector<1x32x16xf32>
    %reduce_sum3A_32 = arith.constant dense<0.000000e+00> : vector<1xf32>
    %reduce_sum3A_33 = vector.multi_reduction <add>, %reduce_sum3A_31, %reduce_sum3A_32 [1, 2] : vector<1x32x16xf32> to vector<1xf32>
    %reduce_sum3A_34 = vector.shape_cast %reduce_sum3A_33 : vector<1xf32> to vector<1x1x1xf32>
    %reduce_sum3A_35 = vector.extract %reduce_sum3A_34[0, 0, 0] : f32 from vector<1x1x1xf32>
    %slice3A_36 = vector.extract_strided_slice %get3A_5 {offsets = [2, 0, 0], sizes = [1, 8, 128], strides = [1, 1, 1]} : vector<3x8x128xf32> to vector<1x8x128xf32>
    %squeeze3A_37 = vector.shape_cast %slice3A_36 : vector<1x8x128xf32> to vector<8x128xf32>
    %reduce_sum3A_38 = vector.shape_cast %squeeze3A_37 : vector<8x128xf32> to vector<1x8x128xf32>
    %reduce_sum3A_39 = arith.constant dense<0.000000e+00> : vector<1xf32>
    %reduce_sum3A_40 = vector.multi_reduction <add>, %reduce_sum3A_38, %reduce_sum3A_39 [1, 2] : vector<1x8x128xf32> to vector<1xf32>
    %reduce_sum3A_41 = vector.shape_cast %reduce_sum3A_40 : vector<1xf32> to vector<1x1x1xf32>
    %reduce_sum3A_42 = vector.extract %reduce_sum3A_41[0, 0, 0] : f32 from vector<1x1x1xf32>
    %add3A_43 = arith.addf %reduce_sum3A_35, %reduce_sum3A_42 : f32
    %sub3A = arith.subf %add3A_43, %add3A : f32
    %sub3A_44 = arith.subf %add3A_29, %add3A : f32
    %add3A_45 = arith.addf %add3A, %sub3A : f32
    %div3A = arith.divf %add3A, %add3A_45 : f32
    %add3A_46 = arith.addf %add3A, %sub3A_44 : f32
    %div3A_47 = arith.divf %add3A, %add3A_46 : f32
    %mul3A = arith.mulf %div3A_47, %div3A : f32
    %mul3A_48 = arith.constant 2.000000e+00 : f32
    %mul3A_49 = arith.mulf %mul3A_48, %mul3A : f32
    %mul3A_50 = arith.constant 1.000000e+00 : f32
    %mul3A_51 = arith.mulf %mul3A_50, %div3A_47 : f32
    %add3A_52 = arith.addf %mul3A_51, %div3A : f32
    %div3A_53 = arith.divf %mul3A_49, %add3A_52 : f32
    %broadcast_in_dim3A = vector.broadcast %div3A_53 : f32 to vector<1x1xf32>
    %swap3A = arith.constant 0 : index
    %swap3A_54 = arith.constant 0 : index
    %swap3A_55 = vector.load %arg2[%swap3A, %swap3A_54] : memref<1x1xf32, #tpu.memory_space<vmem>>, vector<1x1xf32>
    tpu.vector_store %arg2[%swap3A, %swap3A_54], %broadcast_in_dim3A {strides = array<i32>} : memref<1x1xf32, #tpu.memory_space<vmem>>, vector<1x1xf32>,
    return
  }
}

</mosaic_0001>

<sc_bundles>
// kernel: kernel.5.cloned.1.call-start
scs
__scs_entry_jumppad:
0x0: {  	(pc) =	sbr.rel $0x88, $3  }
0x1: {  	(tag) =	ssettag $0x0;
	lr =	simm.s32 $0x1  }
0x2: {  	[smem:$0x3F9F] =	sst lr;
	_ =	strace $0xD0000000  }
0x3: {  	_ = 	snop  }
0x4: {  	_ = 	snop  }
0x5: {  	_ = 	snop  }
0x6: {  	_ = 	snop  }
0x7: {  	_ = 	snop  }
__scs_overlays_trampoline_lowered:
0x8: {  	[smem:$0x3FAE] =	sst s0  }
0x9: {  	[smem:$0x3FAF] =	sst s1  }
0xa: {  	[smem:$0x3FB0] =	sst s2  }
0xb: {  	[smem:$0x3FB1] =	sst s3  }
0xc: {  	[smem:$0x3FB2] =	sst s4  }
0xd: {  	[smem:$0x3FB3] =	sst s5  }
0xe: {  	[smem:$0x3FB4] =	sst s6  }
0xf: {  	[smem:$0x3FB5] =	sst s7  }
0x10: {  	[smem:$0x3FB6] =	sst s8  }
0x11: {  	[smem:$0x3FB7] =	sst s9;
	s0 =	simm.s32 @!p0 $0x0  }
0x12: {  	s1 =	sld [smem:$0x3F9D];
	s0 =	simm.s32 @p0 $0x1  }
0x13: {  	[smem:$0x3FB8] =	sst s0;
	s0 =	simm.s32 @!p1 $0x0  }
0x14: {  	s2 =	sld [smem:$0x3F9C];
	s0 =	simm.s32 @p1 $0x1  }
0x15: {  	[smem:$0x3FB9] =	sst s0;
	s0 =	simm.s32 @!p2 $0x0  }
0x16: {  	s3 =	sld [smem:$0x3FDB];
	s0 =	simm.s32 @p2 $0x1  }
0x17: {  	s4 =	simm.s32 $0x1BF5;
	[smem:$0x3FBB] =	sst s0  }
0x18: {  	s0 =	sld [smem:$0x3F9E];
	_ =	swait.ge [sflag:s4], $0x0  }
0x19: {  	s7 =	sld [smem:$0x3F9F]  }
0x1a: {  	s8 =	sadd.s32 $0xFFFFE003, lr  }
0x1b: {  	s9 =	sadd.s32 $0xFFFFFEF7, lr;
	s5 =	simm.s32 $0xFFFFFFFF;
	p2 =	slt.u32 s8, $0xFFFFF086  }
0x1c: {  	p1 =	slt.u32 s9, $0xF7A;
	s5 =	simm.s32 @!p2 $0x0  }
0x1d: {  	s5 =	simm.s32 @p1 $0x1;
	p0 =	seq.s32 s7, s2  }
0x1e: {  	s7 =	smul.u32 @!p0 $0xF7A, s2;
	p2 =	seq.s32 @!p0 s5, $0x0  }
0x1f: {  	s9 =	smul.u32 $0xF7A, s1;
	s8 =	simm.s32 @!p0 $0x1BF5;
	p2 =	por !p2, p0  }
0x20: {  	[sflag:s8] =	ssyncset.s32 @!p0 $0xFFFFF086;
	s6 =	sadd.s32 @!p0 s3, s7;
	s7 =	simm.s32 @!p0 $0x108  }
0x21: {  	s3 =	sadd.s32 s3, s9;
	s6 =	sadd.s32 @!p0 $0x88, s6;
	s7 =	simm.s32 @p2 $0x1082  }
0x22: {  	[simem:s7], [sflag:s8] =	dma.local @!p0 [hbm:s6], $0xF7A  }
0x23: {  	s9 =	sor.u32 $0xD0000000, s2;
	s6 =	simm.s32 $0x108;
	_ =	swait.ge @!p0 [sflag:s8], $0x0  }
0x24: {  	s3 =	sadd.s32 $0x88, s3;
	s6 =	simm.s32 @!p1 $0x1082;
	[sflag:s4] =	ssyncset.s32 $0xFFFFF086  }
0x25: {  	[simem:s6], [sflag:s4] =	dma.local [hbm:s3], $0xF7A  }
0x26: {  	[smem:$0x3F9F] =	sst s1;
	(tag) =	ssettag s2;
	_ =	strace s9  }
0x27: {  	s1 =	sld [smem:$0x3FAF]  }
0x28: {  	s2 =	sld [smem:$0x3FB0]  }
0x29: {  	s4 =	sld [smem:$0x3FB2]  }
0x2a: {  	p0 =	seq.s32 s5, $0x0;
	s5 =	sld [smem:$0x3FB3]  }
0x2b: {  	s6 =	sld [smem:$0x3FB4]  }
0x2c: {  	s7 =	sld [smem:$0x3FB5]  }
0x2d: {  	s3 =	simm.s32 $0x108;
	s8 =	sld [smem:$0x3FB6]  }
0x2e: {  	s3 =	simm.s32 @!p0 $0x1082;
	s9 =	sld [smem:$0x3FB7]  }
0x2f: {  	lr =	sadd.s32 s0, s3;
	s0 =	sld [smem:$0x3FAE]  }
0x30: {  	s3 =	sld [smem:$0x3FB1]  }
0x31: {  	[smem:$0x3FBA] =	sst s10  }
0x32: {  	s10 =	sld [smem:$0x3FB8];
	_ =	sdelay $0x3  }
0x33: {  	p0 =	seq.s32 s10, $0x1;
	s10 =	sld [smem:$0x3FBA];
	_ =	sdelay $0x3  }
0x34: {  	[smem:$0x3FBA] =	sst s10  }
0x35: {  	s10 =	sld [smem:$0x3FB9];
	_ =	sdelay $0x3  }
0x36: {  	p1 =	seq.s32 s10, $0x1;
	s10 =	sld [smem:$0x3FBA];
	_ =	sdelay $0x3  }
0x37: {  	[smem:$0x3FBA] =	sst s10  }
0x38: {  	s10 =	sld [smem:$0x3FBB]  }
0x39: {  	_ = 	snop;
	(pc) =	sbr.ind lr, $3  }
0x3a: {  	_ = 	snop  }
0x3b: {  	_ = 	snop  }
0x3c: {  	p2 =	seq.s32 s10, $0x1;
	s10 =	sld [smem:$0x3FBA]  }
0x3d: {  	_ =	shalt  }
0x3e: {  	_ =	shalt  }
0x3f: {  	_ =	shalt  }
0x40: {  	_ =	shalt  }
0x41: {  	_ =	shalt  }
0x42: {  	_ =	shalt  }
0x43: {  	_ =	shalt  }
0x44: {  	_ =	shalt  }
0x45: {  	_ =	shalt  }
0x46: {  	_ =	shalt  }
0x47: {  	_ =	shalt  }
0x48: {  	_ =	shalt  }
0x49: {  	_ =	shalt  }
0x4a: {  	_ =	shalt  }
0x4b: {  	_ =	shalt  }
0x4c: {  	_ =	shalt  }
0x4d: {  	_ =	shalt  }
0x4e: {  	_ =	shalt  }
0x4f: {  	_ =	shalt  }
0x50: {  	_ =	shalt  }
0x51: {  	_ =	shalt  }
0x52: {  	_ =	shalt  }
0x53: {  	_ =	shalt  }
0x54: {  	_ =	shalt  }
0x55: {  	_ =	shalt  }
0x56: {  	_ =	shalt  }
0x57: {  	_ =	shalt  }
0x58: {  	_ =	shalt  }
0x59: {  	_ =	shalt  }
0x5a: {  	_ =	shalt  }
0x5b: {  	_ =	shalt  }
0x5c: {  	_ =	shalt  }
0x5d: {  	_ =	shalt  }
0x5e: {  	_ =	shalt  }
0x5f: {  	_ =	shalt  }
0x60: {  	_ =	shalt  }
0x61: {  	_ =	shalt  }
0x62: {  	_ =	shalt  }
0x63: {  	_ =	shalt  }
0x64: {  	_ =	shalt  }
0x65: {  	_ =	shalt  }
0x66: {  	_ =	shalt  }
0x67: {  	_ =	shalt  }
0x68: {  	_ =	shalt  }
0x69: {  	_ =	shalt  }
0x6a: {  	_ =	shalt  }
0x6b: {  	_ =	shalt  }
0x6c: {  	_ =	shalt  }
0x6d: {  	_ =	shalt  }
0x6e: {  	_ =	shalt  }
0x6f: {  	_ =	shalt  }
0x70: {  	_ =	shalt  }
0x71: {  	_ =	shalt  }
0x72: {  	_ =	shalt  }
0x73: {  	_ =	shalt  }
0x74: {  	_ =	shalt  }
0x75: {  	_ =	shalt  }
0x76: {  	_ =	shalt  }
0x77: {  	_ =	shalt  }
0x78: {  	_ =	shalt  }
0x79: {  	_ =	shalt  }
0x7a: {  	_ =	shalt  }
0x7b: {  	_ =	shalt  }
0x7c: {  	_ =	shalt  }
0x7d: {  	_ =	shalt  }
0x7e: {  	_ =	shalt  }
0x7f: {  	_ =	shalt  }
0x80: {  	_ =	shalt  }
0x81: {  	_ =	shalt  }
0x82: {  	_ =	shalt  }
0x83: {  	_ =	shalt  }
0x84: {  	_ =	shalt  }
0x85: {  	_ =	shalt  }
0x86: {  	_ =	shalt  }
0x87: {  	_ =	shalt  }
.Lfunc_end0:
.L_simem_size_0:
called_computation_lowered:
.L_overlay_start_0:
0x88: {  	s2 =	sld [smem:$0x3FD9]  }
0x89: {  	s3 =	sld [smem:$0x3FFE];
	_ =	sdelay $0x1  }
0x8a: {  	s1 =	srdreg.scid  }
0x8b: {  	s0 =	sand.u32 $0x1, s1  }
0x8c: {  	s17 =	sshll.u32 s0, $0xA;
	s2 =	sadd.s32 s3, s2  }
0x8d: {  	s2 =	sadd.s32 s2, s17  }
0x8e: {  	[smem:$0x3FC6] =	sst s2  }
0x8f: {  	_ = 	snop  }
0x90: {  	s2 =	sld [smem:$0x3FC9]  }
0x91: {  	s18 =	sld [smem:$0x3FC8];
	(tm) =	ssettm $0x1  }
0x92: {  	s4 =	sld [smem:$0x3FFB];
	_ =	sdelay $0x3  }
0x93: {  	_ =	strace s4  }
0x94: {  	s4 =	sld [smem:$0x3FFC];
	_ =	sdelay $0x3  }
0x95: {  	_ =	strace s4  }
0x96: {  	s4 =	sld [smem:$0x3FFD];
	_ =	sdelay $0x3  }
0x97: {  	_ =	strace s4  }
0x98: {  	_ =	strace $0x8FFFFFFF  }
0x99: {  	s19 =	sld [smem:$0x3FDB];
	_ =	sdelay $0x1  }
0x9a: {  	s5 =	simm.s32 $_scs_section_size  }
0x9b: {  	s6 =	simm.s32 $_size__tile_overlayer_lowered;
	s7 =	simm.s32 $_tile_overlayer_lowered  }
0x9c: {  	s22 =	simm.s32 $0x1BFF;
	s21 =	sshll.u32 s7, $0x1;
	s4 =	sadd.s32 s5, s19  }
0x9d: {  	s8 =	simm.s32 $0x0;
	s20 =	sshll.u32 s6, $0x1;
	s6 =	sadd.s32 s21, s4  }
0x9e: {  	[timem:s8], [sflag:s22] =	dma.local [hbm:s6], s20  }
0x9f: {  	_ =	swait.ge [sflag:s22], s20  }
0xa0: {  	s5 =	ssub.s32 $0x0, s20;
	[sflag:s22] =	ssyncset.done $0x0  }
0xa1: {  	[sflag:s22] =	ssyncadd.s32 s5;
	_ =	sdelay $0x1  }
0xa2: {  	s23 =	simm.s32 $0x1B8B  }
0xa3: {  	_ =	swait.ge [sflag:s23], $0x1  }
0xa4: {  	[sflag:s23] =	ssyncset.done $0x0  }
0xa5: {  	s25 =	simm.s32 $0x1B8E;
	s24 =	sld [smem:$0x3FFE];
	[sflag:s23] =	ssyncadd.s32 $0xFFFFFFFF  }
0xa6: {  	s26 =	simm.s32 $execute0_lowered;
	[smem:$0x3FD2] =	sst s25  }
0xa7: {  	s6 =	sshll.u32 s26, $0x1;
	_ =	strace $0x80000046;
	[dreg:$0x1] =	wrdreg $0xFFFFFFFF  }
0xa8: {  	s28 =	simm.s32 $_size_execute0_lowered;
	s4 =	sadd.s32 s4, s6;
	[dreg:$0x0] =	wrdreg $0x0  }
0xa9: {  	s6 =	sshll.u32 s28, $0x1;
	[dreg:$0x2] =	wrdreg s4  }
0xaa: {  	[dreg:$0x3] =	wrdreg s6  }
0xab: {  	[dreg:$0x4] =	wrdreg $0xC0  }
0xac: {  	_ =	task [dreg:s8], $0x5FFFF  }
0xad: {  	[dreg:$0x1] =	wrdreg $0xFFFFFFFF  }
0xae: {  	[dreg:$0x0] =	wrdreg $0x60  }
0xaf: {  	[dreg:$0x2] =	wrdreg s2  }
0xb0: {  	[dreg:$0x3] =	wrdreg s18  }
0xb1: {  	[dreg:$0x4] =	wrdreg s24  }
0xb2: {  	[dreg:$0x5] =	wrdreg $0x9  }
0xb3: {  	_ =	task.clear_ibuf [dreg:s8], $0x6FFFF;
	_ =	strace $0x90000046  }
0xb4: {  	s29 =	simm.s32 $0x9;
	_ =	strace $0x80000048  }
0xb5: {  	_ =	swait.ge [sflag:s29], $0x1  }
0xb6: {  	[sflag:s29] =	ssyncadd.s32 $0xFFFFFFFF  }
0xb7: {  	_ =	strace $0x90000048  }
0xb8: {  	_ =	sfence  }
0xb9: {  	s30 =	sld [smem:$0x0];
	_ =	sdelay $0x2  }
0xba: {  	s31 =	sshll.u32 s1, $0xD;
	s1 =	sshrl.u32 s1, $0x2  }
0xbb: {  	s3 =	sand.u32 $0x4000, s31;
	s1 =	sadd.s32 s1, s30  }
0xbc: {  	s0 =	sor.u32 s3, s0;
	s1 =	sshll.u32 s1, $0x11  }
0xbd: {  	s0 =	sor.u32 s1, s0  }
0xbe: {  	s0 =	sadd.s32 $0x8F2B, s0  }
0xbf: {  	[sflag:s0] =	ssyncadd.remote.s32 $0x1  }
0xc0: {  	_ =	sfence.sel $0xFFFF  }
0xc1: {  	[dreg:$0x0] =	wrdreg $0xFFFFFFFF;
	(pc) =	sbr.abs _section_cstart, $3  }
0xc2: {  	[dreg:$0x1] =	wrdreg $0xFFFFFFFF  }
0xc3: {  	_ =	task.clear_ibuf [dreg:s8], $0x2FFFF;
	_ =	strace $0x9FFFFFFF  }
0xc4: {  	(tm) =	ssettm $0x7FFFFFFF  }
0xc5: {  	_ =	shalt  }
tec
execute0_lowered:
.L_overlay_start_1:
0x0: {  	(tag) =	ssettag $0x1  }
0x1: {  	s9 =	rddreg [dreg:$0x0]  }
0x2: {  	s10 =	rddreg [dreg:$0x1]  }
0x3: {  	s3 =	rddreg [dreg:$0x2]  }
0x4: {  	s0 =	rddreg [dreg:$0x3]  }
0x5: {  	s2 =	simm.s32 $0x0;
	s4 =	srdreg.scid;
	s1 =	stileid.u32  }
0x6: {  	s15 =	simm.s32 $0xC000;
	s16 =	simm.s32 $0x10000;
	s17 =	simm.s32 $0x5  }
0x7: {  	s18 =	simm.s32 $0x0;
	s4 =	sand.u32 $0x1, s4;
	s5 =	sshll.u32 s1, $0x1  }
0x8: {  	[smem:$0x7FF] =	sst s2;
	s5 =	sor.u32 s4, s5;
	s4 =	ssub.s32 $0x2, s4  }
0x9: {  	_ =	strace $0x80000047;
	s6 =	sshll.u32 s5, $0x4;
	s7 =	sshrl.u32 s4, $0x1  }
0xa: {  	s8 =	sshll.u32 s5, $0xD;
	s11 =	sadd.s32 s6, s3;
	s12 =	ssub.s32 s4, s7  }
0xb: {  	s31 =	sor.u32 $0x800, s8;
	s3 =	sadd.s32 s9, s8;
	s4 =	sadd.s32 s10, s8  }
0xc: {  	s13 =	sor.u32 $0x1800, s8;
	s14 =	sor.u32 $0x1000, s8;
	s5 =	sadd.s32 s9, s31  }
0xd: {  	s6 =	sadd.s32 s10, s31;
	s7 =	sadd.s32 s9, s13;
	s8 =	sadd.s32 s10, s13  }
0xe: {  	s9 =	sadd.s32 s9, s14;
	s10 =	sadd.s32 s10, s14;
	s11 =	sadd.s32 $0x800, s11  }
0xf: {  	v0 =	vimm.f32 $0.0e+00;
	s12 =	smax.u32 s12, $0x1;
	s13 =	simm.s32 $0x8000;
	s14 =	simm.s32 $0x4000  }
.LBB2_1:
0x10: {  	[tilespmem:s2], [sflag:$0x1] =	stream.linear.gather [hbm4b:s3+s2], $0x4000, $0x38;
	[tilespmem:$0x10080] =	vst v63  }
0x11: {  	_ = 	snop  }
0x12: {  	[tilespmem:s13], [sflag:$0x2] =	stream.linear.gather [hbm4b:s4+s2], $0x4000, $0x38;
	[tilespmem:$0x10080] =	vst v63  }
0x13: {  	_ = 	snop  }
0x14: {  	[tilespmem:s14], [sflag:$0x3] =	stream.linear.gather [hbm4b:s5+s2], $0x4000, $0x38;
	[tilespmem:$0x10080] =	vst v63  }
0x15: {  	s19 =	simm.s32 $0x0  }
0x16: {  	v2 =	vimm.f32 $0.0e+00;
	v1 =	vimm.f32 $0.0e+00;
	v3 =	vimm.f32 $0.0e+00;
	[tilespmem:s15], [sflag:$0x4] =	stream.linear.gather [hbm4b:s6+s2], $0x4000, $0x38;
	[tilespmem:$0x10080] =	vst v63  }
.LBB2_2:
0x17: {  	s20 =	sand.u32 $0x1, s19  }
0x18: {  	p1 =	seq.s32 s20, $0x1  }
0x19: {  	s21 =	simm.s32 @!p1 $0x1  }
0x1a: {  	_ =	swait.ge @!p1 [sflag:s21], $0x4000  }
0x1b: {  	[sflag:s21] =	ssyncset.done @!p1 $0x0  }
0x1c: {  	[sflag:s21] =	ssyncadd.s32 @!p1 $0xFFFFC000;
	s21 =	simm.s32 @!p1 $0x2  }
0x1d: {  	_ =	swait.ge @!p1 [sflag:s21], $0x4000  }
0x1e: {  	p0 =	seq.s32 s20, $0x0;
	[sflag:s21] =	ssyncset.done @!p1 $0x0  }
0x1f: {  	[sflag:s21] =	ssyncadd.s32 @!p1 $0xFFFFC000;
	s21 =	simm.s32 @!p0 $0x3  }
0x20: {  	s22 =	simm.s32 $0x0;
	s23 =	simm.s32 $0x0;
	_ =	swait.ge @!p0 [sflag:s21], $0x4000  }
0x21: {  	s24 =	simm.s32 $0x0;
	s20 =	sshll.u32 s20, $0xE;
	[sflag:s21] =	ssyncset.done @!p0 $0x0  }
0x22: {  	s22 =	sand.u32 $0x3000, s22;
	[sflag:s21] =	ssyncadd.s32 @!p0 $0xFFFFC000;
	s21 =	simm.s32 @!p0 $0x4  }
0x23: {  	s23 =	sand.u32 $0xC00, s23;
	s22 =	sor.u32 s20, s22;
	_ =	swait.ge @!p0 [sflag:s21], $0x4000  }
0x24: {  	s24 =	sand.u32 $0x380, s24;
	s22 =	sor.u32 s23, s22;
	[sflag:s21] =	ssyncset.done @!p0 $0x0  }
0x25: {  	[sflag:s21] =	ssyncadd.s32 @!p0 $0xFFFFC000;
	s21 =	sor.u32 s24, s22  }
0x26: {  	v4 =	vld [tilespmem:s21+$0x0]  }
0x27: {  	v5 =	vld [tilespmem:s21+$0x8000];
	s22 =	sor.u32 $0x10, s21  }
0x28: {  	s30 =	sor.u32 $0x20, s21;
	v6 =	vld [tilespmem:s22+$0x0]  }
0x29: {  	s31 =	sor.u32 $0x8010, s21;
	v7 =	vld [tilespmem:s30+$0x0]  }
0x2a: {  	s24 =	sor.u32 $0x30, s21;
	v8 =	vld [tilespmem:s31+$0x0]  }
0x2b: {  	s25 =	sor.u32 $0x8020, s21;
	v9 =	vld [tilespmem:s24+$0x0];
	vm0 =	vge.f32 v4, $5.000000000e-01  }
0x2c: {  	s29 =	sor.u32 $0x8030, s21;
	v10 =	vld [tilespmem:s25+$0x0];
	v4 =	vsel vm0, $0x3F800000, v0;
	v11 =	vnsel vm0, $0x0, v5  }
0x2d: {  	s26 =	sor.u32 $0x40, s21;
	vm0 =	vge.f32 v6, $5.000000000e-01;
	v5 =	vadd.f32 v5, v2;
	v2 =	vld [tilespmem:s29+$0x0];
	v4 =	vadd.f32 v4, v1  }
0x2e: {  	s30 =	sor.u32 $0x50, s21;
	v1 =	vld [tilespmem:s26+$0x0];
	v6 =	vadd.f32 v11, v3;
	v3 =	vsel vm0, $0x3F800000, v0  }
0x2f: {  	s23 =	simm.s32 $0x2;
	s28 =	sor.u32 $0x60, s21;
	s25 =	sor.u32 $0x8040, s21;
	v11 =	vadd.f32 v3, v4;
	v4 =	vnsel vm0, $0x0, v8;
	vm0 =	vge.f32 v7, $5.000000000e-01;
	v3 =	vld [tilespmem:s30+$0x0]  }
0x30: {  	s31 =	simm.s32 $0x20;
	s22 =	simm.s32 $0x400;
	s26 =	simm.s32 $0x80;
	v8 =	vadd.f32 v8, v5;
	v6 =	vadd.f32 v4, v6;
	v5 =	vsel vm0, $0x3F800000, v0;
	v4 =	vld [tilespmem:s25+$0x0]  }
0x31: {  	s24 =	sand.u32 $0xC00, s22;
	s29 =	sor.u32 $0x8050, s21;
	s26 =	sand.u32 $0x3000, s26;
	v7 =	vadd.f32 v5, v11;
	v11 =	vnsel vm0, $0x0, v10;
	vm0 =	vge.f32 v9, $5.000000000e-01;
	v5 =	vld [tilespmem:s28+$0x0]  }
0x32: {  	s26 =	sor.u32 s20, s26;
	s25 =	sand.u32 $0x380, s31;
	v8 =	vadd.f32 v10, v8;
	s28 =	sor.u32 $0x70, s21;
	v9 =	vadd.f32 v11, v6;
	v10 =	vsel vm0, $0x3F800000, v0;
	v6 =	vld [tilespmem:s29+$0x0]  }
.LBB2_3:
0x33: {  	p0 =	sne.s32 s23, $0x7F;
	s24 =	sor.u32 s24, s26;
	v7 =	vadd.f32 v10, v7;
	v10 =	vnsel vm0, $0x0, v2;
	vm0 =	vge.f32 v1, $5.000000000e-01;
	s26 =	sor.u32 $0x8060, s21;
	v1 =	vld [tilespmem:s28+$0x0]  }
0x34: {  	s24 =	sor.u32 s25, s24;
	v2 =	vadd.f32 v2, v8;
	v8 =	vadd.f32 v10, v9;
	v9 =	vsel vm0, $0x3F800000, v0;
	v10 =	vld [tilespmem:s26+$0x0]  }
0x35: {  	s25 =	sor.u32 $0x8070, s21;
	v11 =	vld [tilespmem:s24+$0x0];
	v7 =	vadd.f32 v9, v7;
	v9 =	vnsel vm0, $0x0, v4;
	vm0 =	vge.f32 v3, $5.000000000e-01;
	s21 =	smov.u32 s24  }
0x36: {  	v2 =	vadd.f32 v4, v2;
	v3 =	vadd.f32 v9, v8;
	v4 =	vsel vm0, $0x3F800000, v0;
	v8 =	vld [tilespmem:s25+$0x0]  }
0x37: {  	s24 =	sor.u32 $0x10, s21;
	v9 =	vld [tilespmem:s21+$0x8000];
	v4 =	vadd.f32 v4, v7;
	v7 =	vnsel vm0, $0x0, v6;
	vm0 =	vge.f32 v5, $5.000000000e-01  }
0x38: {  	v5 =	vld [tilespmem:s24+$0x0];
	s24 =	sor.u32 $0x20, s21;
	v2 =	vadd.f32 v6, v2;
	v3 =	vadd.f32 v7, v3;
	v6 =	vsel vm0, $0x3F800000, v0  }
0x39: {  	s25 =	sor.u32 $0x8010, s21;
	v7 =	vld [tilespmem:s24+$0x0];
	v4 =	vadd.f32 v6, v4;
	v6 =	vnsel vm0, $0x0, v10;
	vm0 =	vge.f32 v1, $5.000000000e-01  }
0x3a: {  	s24 =	sor.u32 $0x30, s21;
	v12 =	vld [tilespmem:s25+$0x0];
	v1 =	vadd.f32 v10, v2;
	v2 =	vadd.f32 v6, v3;
	v3 =	vsel vm0, $0x3F800000, v0  }
0x3b: {  	vm1 =	vge.f32 v11, $5.000000000e-01;
	s25 =	sor.u32 $0x8020, s21;
	v6 =	vld [tilespmem:s24+$0x0];
	v3 =	vadd.f32 v3, v4;
	v4 =	vnsel vm0, $0x0, v8  }
0x3c: {  	v10 =	vsel vm1, $0x3F800000, v0;
	s24 =	sor.u32 $0x40, s21;
	v11 =	vld [tilespmem:s25+$0x0];
	v8 =	vadd.f32 v8, v1;
	v2 =	vadd.f32 v4, v2  }
0x3d: {  	v4 =	vnsel vm1, $0x0, v9;
	s25 =	sor.u32 $0x8030, s21;
	v3 =	vadd.f32 v10, v3;
	vm0 =	vge.f32 v5, $5.000000000e-01;
	v1 =	vld [tilespmem:s24+$0x0]  }
.Ltmp0:
0x3e: {  	s24 =	sor.u32 $0x50, s21;
	v5 =	vadd.f32 v9, v8;
	v4 =	vadd.f32 v4, v2;
	v8 =	vsel vm0, $0x3F800000, v0;
	v2 =	vld [tilespmem:s25+$0x0];
	(pc) =	sbr.rel @p0 .LBB2_3-.Ltmp0, $4  }
0x3f: {  	s22 =	sadd.s32 $0x400, s22;
	s26 =	sor.u32 $0x8040, s21;
	s25 =	sshll.u32 s23, $0x5;
	v8 =	vadd.f32 v8, v3;
	v9 =	vnsel vm0, $0x0, v12;
	vm0 =	vge.f32 v7, $5.000000000e-01;
	v3 =	vld [tilespmem:s24+$0x0]  }
0x40: {  	s28 =	sshll.u32 s23, $0x7;
	s24 =	sand.u32 $0xC00, s22;
	v10 =	vadd.f32 v12, v5;
	v9 =	vadd.f32 v9, v4;
	v5 =	vsel vm0, $0x3F800000, v0;
	v4 =	vld [tilespmem:s26+$0x0];
	s26 =	sor.u32 $0x60, s21  }
0x41: {  	s28 =	sand.u32 $0x3000, s28;
	s29 =	sor.u32 $0x8050, s21;
	s25 =	sand.u32 $0x380, s25;
	v7 =	vadd.f32 v5, v8;
	v12 =	vnsel vm0, $0x0, v11;
	vm0 =	vge.f32 v6, $5.000000000e-01;
	v5 =	vld [tilespmem:s26+$0x0]  }
0x42: {  	s23 =	sadd.s32 $0x1, s23;
	s26 =	sor.u32 s20, s28;
	s28 =	sor.u32 $0x70, s21;
	v8 =	vadd.f32 v11, v10;
	v9 =	vadd.f32 v12, v9;
	v10 =	vsel vm0, $0x3F800000, v0;
	v6 =	vld [tilespmem:s29+$0x0]  }
0x43: {  	s20 =	sor.u32 s24, s26;
	s22 =	sor.u32 $0x8060, s21;
	v11 =	vld [tilespmem:s28+$0x0]  }
0x44: {  	s20 =	sor.u32 s25, s20;
	v12 =	vld [tilespmem:s22+$0x0]  }
0x45: {  	s25 =	sor.u32 $0x8070, s21;
	v13 =	vld [tilespmem:s20+$0x0]  }
0x46: {  	v14 =	vld [tilespmem:s25+$0x0]  }
0x47: {  	v15 =	vld [tilespmem:s20+$0x8000];
	s26 =	sor.u32 $0x10, s20  }
0x48: {  	vm5 =	vge.f32 v1, $5.000000000e-01;
	s28 =	sor.u32 $0x20, s20;
	v1 =	vld [tilespmem:s26+$0x0]  }
0x49: {  	v7 =	vadd.f32 v10, v7;
	v39 =	vnsel vm0, $0x0, v2;
	v2 =	vadd.f32 v2, v8;
	s29 =	sor.u32 $0x8010, s20;
	v42 =	vld [tilespmem:s28+$0x0]  }
0x4a: {  	v40 =	vadd.f32 v39, v9;
	v41 =	vsel vm5, $0x3F800000, v0;
	vm6 =	vge.f32 v3, $5.000000000e-01;
	s30 =	sor.u32 $0x30, s20;
	v3 =	vld [tilespmem:s29+$0x0]  }
0x4b: {  	v7 =	vadd.f32 v41, v7;
	v43 =	vnsel vm5, $0x0, v4;
	v44 =	vsel vm6, $0x3F800000, v0;
	s31 =	sor.u32 $0x8020, s20;
	v45 =	vld [tilespmem:s30+$0x0]  }
0x4c: {  	s23 =	sor.u32 $0x40, s20;
	v2 =	vadd.f32 v4, v2;
	v4 =	vadd.f32 v43, v40;
	vm7 =	vge.f32 v5, $5.000000000e-01;
	v5 =	vld [tilespmem:s31+$0x0]  }
0x4d: {  	s24 =	sor.u32 $0x8030, s20;
	v48 =	vld [tilespmem:s23+$0x0];
	v7 =	vadd.f32 v44, v7;
	v46 =	vnsel vm6, $0x0, v6  }
0x4e: {  	s25 =	sor.u32 $0x50, s20;
	v50 =	vld [tilespmem:s24+$0x0];
	v47 =	vsel vm7, $0x3F800000, v0;
	v2 =	vadd.f32 v6, v2;
	v4 =	vadd.f32 v46, v4  }
0x4f: {  	s26 =	sor.u32 $0x8040, s20;
	v52 =	vld [tilespmem:s25+$0x0];
	vm8 =	vge.f32 v11, $5.000000000e-01;
	v6 =	vadd.f32 v47, v7;
	v49 =	vnsel vm7, $0x0, v12  }
0x50: {  	s28 =	sor.u32 $0x60, s20;
	v54 =	vld [tilespmem:s26+$0x0];
	v51 =	vsel vm8, $0x3F800000, v0;
	v2 =	vadd.f32 v12, v2;
	v4 =	vadd.f32 v49, v4  }
0x51: {  	s30 =	sor.u32 $0x70, s20;
	v56 =	vld [tilespmem:s28+$0x0];
	vm1 =	vge.f32 v13, $5.000000000e-01;
	v53 =	vnsel vm8, $0x0, v14;
	v6 =	vadd.f32 v51, v6  }
0x52: {  	s31 =	sor.u32 $0x8060, s20;
	v59 =	vld [tilespmem:s30+$0x0];
	v55 =	vsel vm1, $0x3F800000, v0;
	v2 =	vadd.f32 v14, v2;
	v4 =	vadd.f32 v53, v4  }
0x53: {  	p0 =	seq.s32 s19, $0x1;
	s29 =	sor.u32 $0x8050, s20;
	s20 =	sor.u32 $0x8070, s20;
	v61 =	vld [tilespmem:s31+$0x0];
	v57 =	vnsel vm1, $0x0, v15;
	vm9 =	vge.f32 v1, $5.000000000e-01;
	v6 =	vadd.f32 v55, v6  }
0x54: {  	s21 =	simm.s32 @p0 $0x4000;
	v62 =	vld [tilespmem:s20+$0x0];
	s20 =	simm.s32 @p0 $0x0;
	v58 =	vsel vm9, $0x3F800000, v0;
	v2 =	vadd.f32 v15, v2;
	v4 =	vadd.f32 v57, v4  }
0x55: {  	v1 =	vld [tilespmem:s29+$0x0];
	vm10 =	vge.f32 v42, $5.000000000e-01;
	[tilespmem:s21], [sflag:$0x3] =	stream.linear.gather @p0 [hbm4b:s7+s20], $0x4000, $0x38;
	v60 =	vnsel vm9, $0x0, v3;
	v6 =	vadd.f32 v58, v6  }
0x56: {  	p1 =	sne.s32 @!p0 s19, $0x0;
	s21 =	simm.s32 @p0 $0xC000;
	v2 =	vadd.f32 v3, v2;
	v3 =	vadd.f32 v60, v4;
	v4 =	vsel vm10, $0x3F800000, v0  }
0x57: {  	vm11 =	vge.f32 v45, $5.000000000e-01;
	v63 =	vnsel vm10, $0x0, v5;
	[tilespmem:s21], [sflag:$0x4] =	stream.linear.gather @p0 [hbm4b:s8+s20], $0x4000, $0x38;
	v4 =	vadd.f32 v4, v6;
	[tilespmem:$0x10080] =	vst v63  }
0x58: {  	p0 =	por p1, p0;
	v2 =	vadd.f32 v5, v2;
	v3 =	vadd.f32 v63, v3;
	v5 =	vsel vm11, $0x3F800000, v0  }
0x59: {  	vm12 =	vge.f32 v48, $5.000000000e-01;
	s20 =	simm.s32 @!p0 $0x0;
	v4 =	vadd.f32 v5, v4;
	v5 =	vnsel vm11, $0x0, v50  }
0x5a: {  	[tilespmem:s20], [sflag:$0x1] =	stream.linear.gather @!p0 [hbm4b:s9+s20], $0x4000, $0x38;
	v2 =	vadd.f32 v50, v2;
	v3 =	vadd.f32 v5, v3;
	v5 =	vsel vm12, $0x3F800000, v0;
	[tilespmem:$0x10080] =	vst v63  }
0x5b: {  	s19 =	sadd.s32 $0x1, s19;
	vm13 =	vge.f32 v52, $5.000000000e-01;
	s21 =	simm.s32 @!p0 $0x8000;
	v4 =	vadd.f32 v5, v4;
	v5 =	vnsel vm12, $0x0, v54  }
0x5c: {  	[tilespmem:s21], [sflag:$0x2] =	stream.linear.gather @!p0 [hbm4b:s10+s20], $0x4000, $0x38;
	v2 =	vadd.f32 v54, v2;
	v3 =	vadd.f32 v5, v3;
	v5 =	vsel vm13, $0x3F800000, v0;
	[tilespmem:$0x10080] =	vst v63  }
0x5d: {  	vm14 =	vge.f32 v56, $5.000000000e-01;
	p0 =	sne.s32 s19, $0x4;
	v4 =	vadd.f32 v5, v4;
	v5 =	vnsel vm13, $0x0, v1  }
.Ltmp1:
0x5e: {  	v1 =	vadd.f32 v1, v2;
	v2 =	vadd.f32 v5, v3;
	v3 =	vsel vm14, $0x3F800000, v0;
	(pc) =	sbr.rel @p0 .LBB2_2-.Ltmp1, $4  }
0x5f: {  	vm15 =	vge.f32 v59, $5.000000000e-01;
	v3 =	vadd.f32 v3, v4;
	v4 =	vnsel vm14, $0x0, v61  }
0x60: {  	v5 =	vadd.f32 v61, v1;
	v4 =	vadd.f32 v4, v2;
	v1 =	vsel vm15, $0x3F800000, v0  }
0x61: {  	v1 =	vadd.f32 v1, v3;
	v3 =	vnsel vm15, $0x0, v62  }
0x62: {  	v2 =	vadd.f32 v62, v5;
	v3 =	vadd.f32 v3, v4  }
0x63: {  	[tilespmem:$0x10010] =	vst v1;
	s18 =	sadd.s32 $0x1, s18  }
0x64: {  	[tilespmem:$0x10000] =	vst v3;
	p0 =	sne.s32 s18, s12  }
.Ltmp2:
0x65: {  	[tilespmem:$0x10020] =	vst v2;
	(pc) =	sbr.rel @p0 .LBB2_1-.Ltmp2, $4  }
0x66: {  	[hbm4b:s11+s2] =	stream.linear.scatter [tilespmem:s16], [sflag:$0x5], $0x80, $0x38;
	[tilespmem:$0x10080] =	vst v63  }
0x67: {  	_ =	swait.ge [sflag:s17], $0x80  }
0x68: {  	[sflag:s17] =	ssyncset.done $0x0  }
0x69: {  	[sflag:s17] =	ssyncadd.s32 $0xFFFFFF80  }
0x6a: {  	_ =	sfence.sel $0x180000  }
0x6b: {  	[bflag:$0x0] =	sbarrier.arrive $0xFFFF  }
0x6c: {  	p0 =	sne.s32 s1, $0x0;
	_ =	strace $0x90000047  }
0x6d: {  	s0 =	sadd.s32 @!p0 $0x100000, s0;
	[bflag:$0x2] =	sbarrier.arrive $0xFFFF  }
0x6e: {  	[sflag:s0] =	ssyncadd.tile.s32 @!p0 $0x1;
	_ =	shalt  }
.Lfunc_end2:
_tile_overlayer_lowered:
.L_overlay_start_2:
0x6f: {  	(tag) =	ssettag $0x2  }
0x70: {  	s0 =	rddreg [dreg:$0x0];
	s2 =	stileid.u32  }
0x71: {  	s1 =	rddreg [dreg:$0x1];
	p0 =	sne.s32 s2, $0x0  }
0x72: {  	s3 =	rddreg [dreg:$0x2];
	[bflag:$0x3] =	sbarrier.arrive $0xFFFF;
	s2 =	simm.s32 @!p0 $0x1C05  }
0x73: {  	[timem:s3], [sflag:s2] =	dma.local @!p0 [hbm:s0], s1  }
0x74: {  	s0 =	simm.s32 @!p0 $0x5  }
0x75: {  	_ =	swait.ge @!p0 [sflag:s0], s1  }
0x76: {  	s1 =	ssub.s32 @!p0 $0x0, s1;
	[sflag:s0] =	ssyncset.done @!p0 $0x0  }
0x77: {  	[sflag:s0] =	ssyncadd.s32 @!p0 s1  }
0x78: {  	[bflag:$0x3] =	sbarrier.arrive $0xFFFF  }
0x79: {  	_ =	shalt  }

</sc_bundles>
